<compile_context>
chip_gen: v7x
topology: tpu7x:2x2x1
jax: 0.10.2.dev20260603
libtpu: 0.0.44.dev20260713+nightly
codegen_flags: <defaults>
</compile_context>

<pallas_src>
import jax
import jax.numpy as jnp
from jax import lax
from jax.experimental import pallas as pl
from jax.experimental.pallas import tpu as pltpu
from jax.experimental.pallas import tpu_sc as plsc

L = 200
B = 4096
D = 64
NC = 2
NS = 16
NW = NC * NS
BPW = B // NW
NV = D // 16
NBUF = 8


def _body(src_hbm, len_hbm, table_hbm, out_hbm,
          idx_v, acc_v, len_v, sem0, sem1, sem2, sem3, sem4, sem5, sem6,
          sem7):
    wid = lax.axis_index("s") * NC + lax.axis_index("c")
    base = wid * BPW

    pltpu.sync_copy(src_hbm.at[:, pl.ds(base, BPW)], idx_v)
    pltpu.sync_copy(len_hbm.at[pl.ds(base, BPW)], len_v)

    zeros = jnp.zeros((16,), jnp.float32)

    @plsc.parallel_loop(0, BPW, 1, unroll=8)
    def _zero(e):
        for r in range(NV):
            acc_v[e, pl.ds(r * 16, 16)] = zeros

    sems = (sem0, sem1, sem2, sem3, sem4, sem5, sem6, sem7)

    def fire(l, sem):
        pltpu.async_copy(table_hbm.at[idx_v.at[l]], acc_v, sem, add=True)

    def wait(l, sem):
        pltpu.make_async_copy(table_hbm.at[idx_v.at[l]], acc_v, sem).wait()

    for b in range(NBUF):
        fire(b, sems[b])

    @pl.loop(0, L // NBUF)
    def _step(t):
        l = t * NBUF
        for b in range(NBUF):
            wait(l + b, sems[b])

            @pl.when(l + b + NBUF < L)
            def _():
                fire(l + b + NBUF, sems[b])

    @plsc.parallel_loop(0, BPW // 16, 1)
    def _scale(eb):
        lv = len_v[pl.ds(eb * 16, 16)].astype(jnp.float32)
        inv = jnp.full((16,), 1.0, jnp.float32) / lv
        for j in range(16):
            vinv = jnp.full((16,), inv[j], jnp.float32)
            e = eb * 16 + j
            for r in range(NV):
                sl = pl.ds(r * 16, 16)
                acc_v[e, sl] = acc_v[e, sl] * vinv

    pltpu.sync_copy(acc_v, out_hbm.at[pl.ds(base, BPW)])


@jax.jit
def kernel(src, lengths, table):
    mesh = plsc.VectorSubcoreMesh(core_axis_name="c", subcore_axis_name="s",
                                  num_cores=NC, num_subcores=NS)
    f = pl.kernel(
        _body,
        out_type=jax.ShapeDtypeStruct((B, D), jnp.float32),
        mesh=mesh,
        scratch_types=[
            pltpu.VMEM((L, BPW), jnp.int32),
            pltpu.VMEM((BPW, D), jnp.float32),
            pltpu.VMEM((BPW,), jnp.int32),
        ] + [pltpu.SemaphoreType.DMA] * NBUF,
        compiler_params=pltpu.CompilerParams(use_tc_tiling_on_sc=False),
    )
    return f(src.astype(jnp.int32), lengths.astype(jnp.int32), table)

# --- scband reference (transcript-rebuilt; emitter-appended) ---
"""Pipeline reference for scband-mean-encoder-87033217286183 (READ-ONLY COPY).

The authoritative reference and input builder live on the scoring server;
editing this copy changes nothing except your own understanding.
"""

import jax, jax.numpy as jnp
import numpy as np

L = 200      # max_word (seq length, seq-first layout)
B = 4096     # batch size
V = 100000   # vocab
D = 64       # embed_dim


def setup_inputs(seed: int = 0) -> dict:
    key = jax.random.key(seed)
    k1, k2, k3 = jax.random.split(key, 3)
    src = jax.random.randint(k1, (L, B), 0, V, dtype=jnp.int64) if jax.config.jax_enable_x64 else jax.random.randint(k1, (L, B), 0, V, dtype=jnp.int32)
    # lengths in [1, L] to avoid divide-by-zero (matches real padded-batch lengths)
    lengths = jax.random.randint(k2, (B,), 1, L + 1, dtype=src.dtype)
    table = jax.random.normal(k3, (V, D), dtype=jnp.float32)
    return {"src": src, "lengths": lengths, "table": table}


def reference(src, lengths, table):
    # emb = embeddings(src.unsqueeze(-1)) -> [L, B, D] embedding gather
    emb = jnp.take(table, src, axis=0)            # [L, B, D]
    # memory_bank = emb.sum(0) / lengths.view(B, 1).float()
    summed = emb.sum(axis=0)                      # [B, D]
    memory_bank = summed / lengths.reshape(B, 1).astype(jnp.float32)
    return memory_bank

if __name__ == "__main__":
    import jax
    _d = setup_inputs()
    print(jax.jit(kernel)(*tuple(_d.values())))

</pallas_src>

<mosaic_0001>
#map = affine_map<(d0, d1) -> (0, 0)>
#map1 = affine_map<(d0, d1) -> (0)>
module attributes {stable_mosaic.version = 14 : i64} {
  func.func @_body(%arg0: i32, %arg1: i32, %arg2: memref<200x4096xi32, #tpu.memory_space<hbm>>, %arg3: memref<4096xi32, #tpu.memory_space<hbm>>, %arg4: memref<100000x64xf32, #tpu.memory_space<hbm>>, %arg5: memref<4096x64xf32, #tpu.memory_space<hbm>>, %arg6: memref<200x128xi32, #tpu.memory_space<vmem>>, %arg7: memref<128x64xf32, #tpu.memory_space<vmem>>, %arg8: memref<128xi32, #tpu.memory_space<vmem>>, %arg9: memref<!tpu.dma_semaphore, #tpu.memory_space<semaphore_mem>>, %arg10: memref<!tpu.dma_semaphore, #tpu.memory_space<semaphore_mem>>, %arg11: memref<!tpu.dma_semaphore, #tpu.memory_space<semaphore_mem>>, %arg12: memref<!tpu.dma_semaphore, #tpu.memory_space<semaphore_mem>>, %arg13: memref<!tpu.dma_semaphore, #tpu.memory_space<semaphore_mem>>, %arg14: memref<!tpu.dma_semaphore, #tpu.memory_space<semaphore_mem>>, %arg15: memref<!tpu.dma_semaphore, #tpu.memory_space<semaphore_mem>>, %arg16: memref<!tpu.dma_semaphore, #tpu.memory_space<semaphore_mem>>) attributes {dimension_semantics = [#tpu.dimension_semantics<core_parallel>, #tpu.dimension_semantics<subcore_parallel>], iteration_bounds = array<i64: 2, 16>, scalar_prefetch = 0 : i64, scratch_operands = 11 : i64, tpu.core_type = #tpu.core_type<sc_vector_subcore>, window_params = [{transform_indices = #map}, {transform_indices = #map1}, {transform_indices = #map}, {transform_indices = #map}]} {
    %mul3A = arith.constant 2 : i32
    %mul3A_0 = arith.muli %arg1, %mul3A : i32
    %add3A = arith.addi %mul3A_0, %arg0 : i32
    %mul3A_1 = arith.constant 128 : i32
    %mul3A_2 = arith.muli %add3A, %mul3A_1 : i32
    "tpu.region"() ({
      %run_scoped3A = tpu.sem_alloc : memref<!tpu.dma_semaphore, #tpu.memory_space<semaphore_mem>>
      %dma_start3A_68 = arith.constant 0 : i32
      %dma_start3A_69 = tpu.memref_slice %arg2[%dma_start3A_68, %mul3A_2] : memref<200x4096xi32, #tpu.memory_space<hbm>> -> memref<200x128xi32, #tpu.memory_space<hbm>>
      %dma_start3A_70 = arith.constant 0 : i32
      %dma_start3A_71 = tpu.memref_slice %arg2[%dma_start3A_70, %mul3A_2] : memref<200x4096xi32, #tpu.memory_space<hbm>> -> memref<200x128xi32, #tpu.memory_space<hbm>>
      tpu.enqueue_dma source(%dma_start3A_71 : memref<200x128xi32, #tpu.memory_space<hbm>>) target(%arg6 : memref<200x128xi32, #tpu.memory_space<vmem>>) target_semaphore(%run_scoped3A : memref<!tpu.dma_semaphore, #tpu.memory_space<semaphore_mem>>)
      %dma_wait3A = arith.constant 0 : i32
      %dma_wait3A_72 = tpu.memref_slice %arg2[%dma_wait3A, %mul3A_2] : memref<200x4096xi32, #tpu.memory_space<hbm>> -> memref<200x128xi32, #tpu.memory_space<hbm>>
      %dma_wait3A_73 = arith.constant 0 : i32
      %dma_wait3A_74 = tpu.memref_slice %arg2[%dma_wait3A_73, %mul3A_2] : memref<200x4096xi32, #tpu.memory_space<hbm>> -> memref<200x128xi32, #tpu.memory_space<hbm>>
      tpu.wait_dma2 semaphore(%run_scoped3A : memref<!tpu.dma_semaphore, #tpu.memory_space<semaphore_mem>>) src(%dma_wait3A_74 : memref<200x128xi32, #tpu.memory_space<hbm>>) dst(%arg6 : memref<200x128xi32, #tpu.memory_space<vmem>>)
      tpu.yield
    }) : () -> ()
    "tpu.region"() ({
      %run_scoped3A = tpu.sem_alloc : memref<!tpu.dma_semaphore, #tpu.memory_space<semaphore_mem>>
      %dma_start3A_68 = tpu.memref_slice %arg3[%mul3A_2] : memref<4096xi32, #tpu.memory_space<hbm>> -> memref<128xi32, #tpu.memory_space<hbm>>
      %dma_start3A_69 = tpu.memref_slice %arg3[%mul3A_2] : memref<4096xi32, #tpu.memory_space<hbm>> -> memref<128xi32, #tpu.memory_space<hbm>>
      tpu.enqueue_dma source(%dma_start3A_69 : memref<128xi32, #tpu.memory_space<hbm>>) target(%arg8 : memref<128xi32, #tpu.memory_space<vmem>>) target_semaphore(%run_scoped3A : memref<!tpu.dma_semaphore, #tpu.memory_space<semaphore_mem>>)
      %dma_wait3A = tpu.memref_slice %arg3[%mul3A_2] : memref<4096xi32, #tpu.memory_space<hbm>> -> memref<128xi32, #tpu.memory_space<hbm>>
      %dma_wait3A_70 = tpu.memref_slice %arg3[%mul3A_2] : memref<4096xi32, #tpu.memory_space<hbm>> -> memref<128xi32, #tpu.memory_space<hbm>>
      tpu.wait_dma2 semaphore(%run_scoped3A : memref<!tpu.dma_semaphore, #tpu.memory_space<semaphore_mem>>) src(%dma_wait3A_70 : memref<128xi32, #tpu.memory_space<hbm>>) dst(%arg8 : memref<128xi32, #tpu.memory_space<vmem>>)
      tpu.yield
    }) : () -> ()
    %broadcast_in_dim3A = arith.constant 0.000000e+00 : f32
    %broadcast_in_dim3A_3 = vector.broadcast %broadcast_in_dim3A : f32 to vector<16xf32>
    %parallel_loop3A = arith.constant 0 : i32
    %parallel_loop3A_4 = arith.constant 128 : i32
    %parallel_loop3A_5 = arith.constant 1 : i32
    scf.for %parallel_loop3A_68 = %parallel_loop3A to %parallel_loop3A_4 step %parallel_loop3A_5  : i32 {
      %parallel_loop3A_69 = arith.index_cast %parallel_loop3A_68 : i32 to index
      %parallel_loop3A_70 = arith.constant 0 : index
      %parallel_loop3A_71 = tpu.vector_load %arg7[%parallel_loop3A_69, %parallel_loop3A_70] {strides = array<i32>} : memref<128x64xf32, #tpu.memory_space<vmem>>, vector<1x16xf32>,
      %parallel_loop3A_72 = vector.shape_cast %parallel_loop3A_71 : vector<1x16xf32> to vector<16xf32>
      %parallel_loop3A_73 = vector.shape_cast %broadcast_in_dim3A_3 : vector<16xf32> to vector<1x16xf32>
      tpu.vector_store %arg7[%parallel_loop3A_69, %parallel_loop3A_70], %parallel_loop3A_73 {strides = array<i32>} : memref<128x64xf32, #tpu.memory_space<vmem>>, vector<1x16xf32>,
      %parallel_loop3A_74 = arith.index_cast %parallel_loop3A_68 : i32 to index
      %parallel_loop3A_75 = arith.constant 16 : index
      %parallel_loop3A_76 = tpu.vector_load %arg7[%parallel_loop3A_74, %parallel_loop3A_75] {strides = array<i32>} : memref<128x64xf32, #tpu.memory_space<vmem>>, vector<1x16xf32>,
      %parallel_loop3A_77 = vector.shape_cast %parallel_loop3A_76 : vector<1x16xf32> to vector<16xf32>
      %parallel_loop3A_78 = vector.shape_cast %broadcast_in_dim3A_3 : vector<16xf32> to vector<1x16xf32>
      tpu.vector_store %arg7[%parallel_loop3A_74, %parallel_loop3A_75], %parallel_loop3A_78 {strides = array<i32>} : memref<128x64xf32, #tpu.memory_space<vmem>>, vector<1x16xf32>,
      %parallel_loop3A_79 = arith.index_cast %parallel_loop3A_68 : i32 to index
      %parallel_loop3A_80 = arith.constant 32 : index
      %parallel_loop3A_81 = tpu.vector_load %arg7[%parallel_loop3A_79, %parallel_loop3A_80] {strides = array<i32>} : memref<128x64xf32, #tpu.memory_space<vmem>>, vector<1x16xf32>,
      %parallel_loop3A_82 = vector.shape_cast %parallel_loop3A_81 : vector<1x16xf32> to vector<16xf32>
      %parallel_loop3A_83 = vector.shape_cast %broadcast_in_dim3A_3 : vector<16xf32> to vector<1x16xf32>
      tpu.vector_store %arg7[%parallel_loop3A_79, %parallel_loop3A_80], %parallel_loop3A_83 {strides = array<i32>} : memref<128x64xf32, #tpu.memory_space<vmem>>, vector<1x16xf32>,
      %parallel_loop3A_84 = arith.index_cast %parallel_loop3A_68 : i32 to index
      %parallel_loop3A_85 = arith.constant 48 : index
      %parallel_loop3A_86 = tpu.vector_load %arg7[%parallel_loop3A_84, %parallel_loop3A_85] {strides = array<i32>} : memref<128x64xf32, #tpu.memory_space<vmem>>, vector<1x16xf32>,
      %parallel_loop3A_87 = vector.shape_cast %parallel_loop3A_86 : vector<1x16xf32> to vector<16xf32>
      %parallel_loop3A_88 = vector.shape_cast %broadcast_in_dim3A_3 : vector<16xf32> to vector<1x16xf32>
      tpu.vector_store %arg7[%parallel_loop3A_84, %parallel_loop3A_85], %parallel_loop3A_88 {strides = array<i32>} : memref<128x64xf32, #tpu.memory_space<vmem>>, vector<1x16xf32>,
    } {sc.loop_unroll_factor = 8 : i64, sc.parallel_access}
    %dma_start3A = arith.constant 0 : i32
    %dma_start3A_6 = arith.constant 0 : i32
    %dma_start3A_7 = tpu.memref_slice %arg6[%dma_start3A, %dma_start3A_6] : memref<200x128xi32, #tpu.memory_space<vmem>> -> memref<1x128xi32, #tpu.memory_space<vmem>>
    %dma_start3A_8 = tpu.memref_squeeze %dma_start3A_7 : memref<1x128xi32, #tpu.memory_space<vmem>> -> memref<128xi32, #tpu.memory_space<vmem>>
    %dma_start3A_9 = arith.constant 0 : i32
    %dma_start3A_10 = arith.constant 0 : i32
    %dma_start3A_11 = tpu.memref_slice %arg4[%dma_start3A_9, %dma_start3A_10] : memref<100000x64xf32, #tpu.memory_space<hbm>> -> memref<100000x64xf32, #tpu.memory_space<hbm>>
    tpu.enqueue_indirect_dma source(%dma_start3A_11 : memref<100000x64xf32, #tpu.memory_space<hbm>>) target(%arg7 : memref<128x64xf32, #tpu.memory_space<vmem>>) offsets(%dma_start3A_8 : memref<128xi32, #tpu.memory_space<vmem>>) semaphore(%arg9 : memref<!tpu.dma_semaphore, #tpu.memory_space<semaphore_mem>>) {add = true}
    %dma_start3A_12 = arith.constant 1 : i32
    %dma_start3A_13 = arith.constant 0 : i32
    %dma_start3A_14 = tpu.memref_slice %arg6[%dma_start3A_12, %dma_start3A_13] : memref<200x128xi32, #tpu.memory_space<vmem>> -> memref<1x128xi32, #tpu.memory_space<vmem>>
    %dma_start3A_15 = tpu.memref_squeeze %dma_start3A_14 : memref<1x128xi32, #tpu.memory_space<vmem>> -> memref<128xi32, #tpu.memory_space<vmem>>
    %dma_start3A_16 = arith.constant 0 : i32
    %dma_start3A_17 = arith.constant 0 : i32
    %dma_start3A_18 = tpu.memref_slice %arg4[%dma_start3A_16, %dma_start3A_17] : memref<100000x64xf32, #tpu.memory_space<hbm>> -> memref<100000x64xf32, #tpu.memory_space<hbm>>
    tpu.enqueue_indirect_dma source(%dma_start3A_18 : memref<100000x64xf32, #tpu.memory_space<hbm>>) target(%arg7 : memref<128x64xf32, #tpu.memory_space<vmem>>) offsets(%dma_start3A_15 : memref<128xi32, #tpu.memory_space<vmem>>) semaphore(%arg10 : memref<!tpu.dma_semaphore, #tpu.memory_space<semaphore_mem>>) {add = true}
    %dma_start3A_19 = arith.constant 2 : i32
    %dma_start3A_20 = arith.constant 0 : i32
    %dma_start3A_21 = tpu.memref_slice %arg6[%dma_start3A_19, %dma_start3A_20] : memref<200x128xi32, #tpu.memory_space<vmem>> -> memref<1x128xi32, #tpu.memory_space<vmem>>
    %dma_start3A_22 = tpu.memref_squeeze %dma_start3A_21 : memref<1x128xi32, #tpu.memory_space<vmem>> -> memref<128xi32, #tpu.memory_space<vmem>>
    %dma_start3A_23 = arith.constant 0 : i32
    %dma_start3A_24 = arith.constant 0 : i32
    %dma_start3A_25 = tpu.memref_slice %arg4[%dma_start3A_23, %dma_start3A_24] : memref<100000x64xf32, #tpu.memory_space<hbm>> -> memref<100000x64xf32, #tpu.memory_space<hbm>>
    tpu.enqueue_indirect_dma source(%dma_start3A_25 : memref<100000x64xf32, #tpu.memory_space<hbm>>) target(%arg7 : memref<128x64xf32, #tpu.memory_space<vmem>>) offsets(%dma_start3A_22 : memref<128xi32, #tpu.memory_space<vmem>>) semaphore(%arg11 : memref<!tpu.dma_semaphore, #tpu.memory_space<semaphore_mem>>) {add = true}
    %dma_start3A_26 = arith.constant 3 : i32
    %dma_start3A_27 = arith.constant 0 : i32
    %dma_start3A_28 = tpu.memref_slice %arg6[%dma_start3A_26, %dma_start3A_27] : memref<200x128xi32, #tpu.memory_space<vmem>> -> memref<1x128xi32, #tpu.memory_space<vmem>>
    %dma_start3A_29 = tpu.memref_squeeze %dma_start3A_28 : memref<1x128xi32, #tpu.memory_space<vmem>> -> memref<128xi32, #tpu.memory_space<vmem>>
    %dma_start3A_30 = arith.constant 0 : i32
    %dma_start3A_31 = arith.constant 0 : i32
    %dma_start3A_32 = tpu.memref_slice %arg4[%dma_start3A_30, %dma_start3A_31] : memref<100000x64xf32, #tpu.memory_space<hbm>> -> memref<100000x64xf32, #tpu.memory_space<hbm>>
    tpu.enqueue_indirect_dma source(%dma_start3A_32 : memref<100000x64xf32, #tpu.memory_space<hbm>>) target(%arg7 : memref<128x64xf32, #tpu.memory_space<vmem>>) offsets(%dma_start3A_29 : memref<128xi32, #tpu.memory_space<vmem>>) semaphore(%arg12 : memref<!tpu.dma_semaphore, #tpu.memory_space<semaphore_mem>>) {add = true}
    %dma_start3A_33 = arith.constant 4 : i32
    %dma_start3A_34 = arith.constant 0 : i32
    %dma_start3A_35 = tpu.memref_slice %arg6[%dma_start3A_33, %dma_start3A_34] : memref<200x128xi32, #tpu.memory_space<vmem>> -> memref<1x128xi32, #tpu.memory_space<vmem>>
    %dma_start3A_36 = tpu.memref_squeeze %dma_start3A_35 : memref<1x128xi32, #tpu.memory_space<vmem>> -> memref<128xi32, #tpu.memory_space<vmem>>
    %dma_start3A_37 = arith.constant 0 : i32
    %dma_start3A_38 = arith.constant 0 : i32
    %dma_start3A_39 = tpu.memref_slice %arg4[%dma_start3A_37, %dma_start3A_38] : memref<100000x64xf32, #tpu.memory_space<hbm>> -> memref<100000x64xf32, #tpu.memory_space<hbm>>
    tpu.enqueue_indirect_dma source(%dma_start3A_39 : memref<100000x64xf32, #tpu.memory_space<hbm>>) target(%arg7 : memref<128x64xf32, #tpu.memory_space<vmem>>) offsets(%dma_start3A_36 : memref<128xi32, #tpu.memory_space<vmem>>) semaphore(%arg13 : memref<!tpu.dma_semaphore, #tpu.memory_space<semaphore_mem>>) {add = true}
    %dma_start3A_40 = arith.constant 5 : i32
    %dma_start3A_41 = arith.constant 0 : i32
    %dma_start3A_42 = tpu.memref_slice %arg6[%dma_start3A_40, %dma_start3A_41] : memref<200x128xi32, #tpu.memory_space<vmem>> -> memref<1x128xi32, #tpu.memory_space<vmem>>
    %dma_start3A_43 = tpu.memref_squeeze %dma_start3A_42 : memref<1x128xi32, #tpu.memory_space<vmem>> -> memref<128xi32, #tpu.memory_space<vmem>>
    %dma_start3A_44 = arith.constant 0 : i32
    %dma_start3A_45 = arith.constant 0 : i32
    %dma_start3A_46 = tpu.memref_slice %arg4[%dma_start3A_44, %dma_start3A_45] : memref<100000x64xf32, #tpu.memory_space<hbm>> -> memref<100000x64xf32, #tpu.memory_space<hbm>>
    tpu.enqueue_indirect_dma source(%dma_start3A_46 : memref<100000x64xf32, #tpu.memory_space<hbm>>) target(%arg7 : memref<128x64xf32, #tpu.memory_space<vmem>>) offsets(%dma_start3A_43 : memref<128xi32, #tpu.memory_space<vmem>>) semaphore(%arg14 : memref<!tpu.dma_semaphore, #tpu.memory_space<semaphore_mem>>) {add = true}
    %dma_start3A_47 = arith.constant 6 : i32
    %dma_start3A_48 = arith.constant 0 : i32
    %dma_start3A_49 = tpu.memref_slice %arg6[%dma_start3A_47, %dma_start3A_48] : memref<200x128xi32, #tpu.memory_space<vmem>> -> memref<1x128xi32, #tpu.memory_space<vmem>>
    %dma_start3A_50 = tpu.memref_squeeze %dma_start3A_49 : memref<1x128xi32, #tpu.memory_space<vmem>> -> memref<128xi32, #tpu.memory_space<vmem>>
    %dma_start3A_51 = arith.constant 0 : i32
    %dma_start3A_52 = arith.constant 0 : i32
    %dma_start3A_53 = tpu.memref_slice %arg4[%dma_start3A_51, %dma_start3A_52] : memref<100000x64xf32, #tpu.memory_space<hbm>> -> memref<100000x64xf32, #tpu.memory_space<hbm>>
    tpu.enqueue_indirect_dma source(%dma_start3A_53 : memref<100000x64xf32, #tpu.memory_space<hbm>>) target(%arg7 : memref<128x64xf32, #tpu.memory_space<vmem>>) offsets(%dma_start3A_50 : memref<128xi32, #tpu.memory_space<vmem>>) semaphore(%arg15 : memref<!tpu.dma_semaphore, #tpu.memory_space<semaphore_mem>>) {add = true}
    %dma_start3A_54 = arith.constant 7 : i32
    %dma_start3A_55 = arith.constant 0 : i32
    %dma_start3A_56 = tpu.memref_slice %arg6[%dma_start3A_54, %dma_start3A_55] : memref<200x128xi32, #tpu.memory_space<vmem>> -> memref<1x128xi32, #tpu.memory_space<vmem>>
    %dma_start3A_57 = tpu.memref_squeeze %dma_start3A_56 : memref<1x128xi32, #tpu.memory_space<vmem>> -> memref<128xi32, #tpu.memory_space<vmem>>
    %dma_start3A_58 = arith.constant 0 : i32
    %dma_start3A_59 = arith.constant 0 : i32
    %dma_start3A_60 = tpu.memref_slice %arg4[%dma_start3A_58, %dma_start3A_59] : memref<100000x64xf32, #tpu.memory_space<hbm>> -> memref<100000x64xf32, #tpu.memory_space<hbm>>
    tpu.enqueue_indirect_dma source(%dma_start3A_60 : memref<100000x64xf32, #tpu.memory_space<hbm>>) target(%arg7 : memref<128x64xf32, #tpu.memory_space<vmem>>) offsets(%dma_start3A_57 : memref<128xi32, #tpu.memory_space<vmem>>) semaphore(%arg16 : memref<!tpu.dma_semaphore, #tpu.memory_space<semaphore_mem>>) {add = true}
    %scan3A = arith.constant 0 : i32
    %scan3A_61 = arith.constant 25 : i32
    %scan3A_62 = arith.addi %scan3A, %scan3A_61 : i32
    %scan3A_63 = arith.constant 1 : i32
    scf.for %scan3A_68 = %scan3A to %scan3A_62 step %scan3A_63  : i32 {
      %mul3A_69 = arith.constant 1 : i32
      %mul3A_70 = arith.muli %scan3A_68, %mul3A_69 : i32
      %add3A_71 = arith.constant 0 : i32
      %add3A_72 = arith.addi %add3A_71, %mul3A_70 : i32
      %mul3A_73 = arith.constant 8 : i32
      %mul3A_74 = arith.muli %add3A_72, %mul3A_73 : i32
      %add3A_75 = arith.constant 0 : i32
      %add3A_76 = arith.addi %mul3A_74, %add3A_75 : i32
      %dma_wait3A = arith.constant 0 : i32
      %dma_wait3A_77 = tpu.memref_slice %arg6[%add3A_76, %dma_wait3A] : memref<200x128xi32, #tpu.memory_space<vmem>> -> memref<1x128xi32, #tpu.memory_space<vmem>>
      %dma_wait3A_78 = tpu.memref_squeeze %dma_wait3A_77 : memref<1x128xi32, #tpu.memory_space<vmem>> -> memref<128xi32, #tpu.memory_space<vmem>>
      %dma_wait3A_79 = arith.constant 0 : i32
      %dma_wait3A_80 = arith.constant 0 : i32
      %dma_wait3A_81 = tpu.memref_slice %arg4[%dma_wait3A_79, %dma_wait3A_80] : memref<100000x64xf32, #tpu.memory_space<hbm>> -> memref<100000x64xf32, #tpu.memory_space<hbm>>
      tpu.wait_indirect_dma semaphore(%arg9 : memref<!tpu.dma_semaphore, #tpu.memory_space<semaphore_mem>>) src(%dma_wait3A_81 : memref<100000x64xf32, #tpu.memory_space<hbm>>) dst(%arg7 : memref<128x64xf32, #tpu.memory_space<vmem>>)
      %add3A_82 = arith.constant 0 : i32
      %add3A_83 = arith.addi %mul3A_74, %add3A_82 : i32
      %add3A_84 = arith.constant 8 : i32
      %add3A_85 = arith.addi %add3A_83, %add3A_84 : i32
      %lt3A = arith.constant 200 : i32
      %lt3A_86 = arith.cmpi slt, %add3A_85, %lt3A : i32
      %convert_element_type3A = arith.extui %lt3A_86 : i1 to i32
      %cond3A = arith.constant 0 : i32
      %cond3A_87 = arith.cmpi ne, %convert_element_type3A, %cond3A : i32
      scf.if %cond3A_87 {
        %add3A_207 = arith.constant 0 : i32
        %add3A_208 = arith.addi %mul3A_74, %add3A_207 : i32
        %add3A_209 = arith.constant 8 : i32
        %add3A_210 = arith.addi %add3A_208, %add3A_209 : i32
        %dma_start3A_211 = arith.constant 0 : i32
        %dma_start3A_212 = tpu.memref_slice %arg6[%add3A_210, %dma_start3A_211] : memref<200x128xi32, #tpu.memory_space<vmem>> -> memref<1x128xi32, #tpu.memory_space<vmem>>
        %dma_start3A_213 = tpu.memref_squeeze %dma_start3A_212 : memref<1x128xi32, #tpu.memory_space<vmem>> -> memref<128xi32, #tpu.memory_space<vmem>>
        %dma_start3A_214 = arith.constant 0 : i32
        %dma_start3A_215 = arith.constant 0 : i32
        %dma_start3A_216 = tpu.memref_slice %arg4[%dma_start3A_214, %dma_start3A_215] : memref<100000x64xf32, #tpu.memory_space<hbm>> -> memref<100000x64xf32, #tpu.memory_space<hbm>>
        tpu.enqueue_indirect_dma source(%dma_start3A_216 : memref<100000x64xf32, #tpu.memory_space<hbm>>) target(%arg7 : memref<128x64xf32, #tpu.memory_space<vmem>>) offsets(%dma_start3A_213 : memref<128xi32, #tpu.memory_space<vmem>>) semaphore(%arg9 : memref<!tpu.dma_semaphore, #tpu.memory_space<semaphore_mem>>) {add = true}
      } else {
      }
      %add3A_88 = arith.constant 1 : i32
      %add3A_89 = arith.addi %mul3A_74, %add3A_88 : i32
      %dma_wait3A_90 = arith.constant 0 : i32
      %dma_wait3A_91 = tpu.memref_slice %arg6[%add3A_89, %dma_wait3A_90] : memref<200x128xi32, #tpu.memory_space<vmem>> -> memref<1x128xi32, #tpu.memory_space<vmem>>
      %dma_wait3A_92 = tpu.memref_squeeze %dma_wait3A_91 : memref<1x128xi32, #tpu.memory_space<vmem>> -> memref<128xi32, #tpu.memory_space<vmem>>
      %dma_wait3A_93 = arith.constant 0 : i32
      %dma_wait3A_94 = arith.constant 0 : i32
      %dma_wait3A_95 = tpu.memref_slice %arg4[%dma_wait3A_93, %dma_wait3A_94] : memref<100000x64xf32, #tpu.memory_space<hbm>> -> memref<100000x64xf32, #tpu.memory_space<hbm>>
      tpu.wait_indirect_dma semaphore(%arg10 : memref<!tpu.dma_semaphore, #tpu.memory_space<semaphore_mem>>) src(%dma_wait3A_95 : memref<100000x64xf32, #tpu.memory_space<hbm>>) dst(%arg7 : memref<128x64xf32, #tpu.memory_space<vmem>>)
      %add3A_96 = arith.constant 1 : i32
      %add3A_97 = arith.addi %mul3A_74, %add3A_96 : i32
      %add3A_98 = arith.constant 8 : i32
      %add3A_99 = arith.addi %add3A_97, %add3A_98 : i32
      %lt3A_100 = arith.constant 200 : i32
      %lt3A_101 = arith.cmpi slt, %add3A_99, %lt3A_100 : i32
      %convert_element_type3A_102 = arith.extui %lt3A_101 : i1 to i32
      %cond3A_103 = arith.constant 0 : i32
      %cond3A_104 = arith.cmpi ne, %convert_element_type3A_102, %cond3A_103 : i32
      scf.if %cond3A_104 {
        %add3A_207 = arith.constant 1 : i32
        %add3A_208 = arith.addi %mul3A_74, %add3A_207 : i32
        %add3A_209 = arith.constant 8 : i32
        %add3A_210 = arith.addi %add3A_208, %add3A_209 : i32
        %dma_start3A_211 = arith.constant 0 : i32
        %dma_start3A_212 = tpu.memref_slice %arg6[%add3A_210, %dma_start3A_211] : memref<200x128xi32, #tpu.memory_space<vmem>> -> memref<1x128xi32, #tpu.memory_space<vmem>>
        %dma_start3A_213 = tpu.memref_squeeze %dma_start3A_212 : memref<1x128xi32, #tpu.memory_space<vmem>> -> memref<128xi32, #tpu.memory_space<vmem>>
        %dma_start3A_214 = arith.constant 0 : i32
        %dma_start3A_215 = arith.constant 0 : i32
        %dma_start3A_216 = tpu.memref_slice %arg4[%dma_start3A_214, %dma_start3A_215] : memref<100000x64xf32, #tpu.memory_space<hbm>> -> memref<100000x64xf32, #tpu.memory_space<hbm>>
        tpu.enqueue_indirect_dma source(%dma_start3A_216 : memref<100000x64xf32, #tpu.memory_space<hbm>>) target(%arg7 : memref<128x64xf32, #tpu.memory_space<vmem>>) offsets(%dma_start3A_213 : memref<128xi32, #tpu.memory_space<vmem>>) semaphore(%arg10 : memref<!tpu.dma_semaphore, #tpu.memory_space<semaphore_mem>>) {add = true}
      } else {
      }
      %add3A_105 = arith.constant 2 : i32
      %add3A_106 = arith.addi %mul3A_74, %add3A_105 : i32
      %dma_wait3A_107 = arith.constant 0 : i32
      %dma_wait3A_108 = tpu.memref_slice %arg6[%add3A_106, %dma_wait3A_107] : memref<200x128xi32, #tpu.memory_space<vmem>> -> memref<1x128xi32, #tpu.memory_space<vmem>>
      %dma_wait3A_109 = tpu.memref_squeeze %dma_wait3A_108 : memref<1x128xi32, #tpu.memory_space<vmem>> -> memref<128xi32, #tpu.memory_space<vmem>>
      %dma_wait3A_110 = arith.constant 0 : i32
      %dma_wait3A_111 = arith.constant 0 : i32
      %dma_wait3A_112 = tpu.memref_slice %arg4[%dma_wait3A_110, %dma_wait3A_111] : memref<100000x64xf32, #tpu.memory_space<hbm>> -> memref<100000x64xf32, #tpu.memory_space<hbm>>
      tpu.wait_indirect_dma semaphore(%arg11 : memref<!tpu.dma_semaphore, #tpu.memory_space<semaphore_mem>>) src(%dma_wait3A_112 : memref<100000x64xf32, #tpu.memory_space<hbm>>) dst(%arg7 : memref<128x64xf32, #tpu.memory_space<vmem>>)
      %add3A_113 = arith.constant 2 : i32
      %add3A_114 = arith.addi %mul3A_74, %add3A_113 : i32
      %add3A_115 = arith.constant 8 : i32
      %add3A_116 = arith.addi %add3A_114, %add3A_115 : i32
      %lt3A_117 = arith.constant 200 : i32
      %lt3A_118 = arith.cmpi slt, %add3A_116, %lt3A_117 : i32
      %convert_element_type3A_119 = arith.extui %lt3A_118 : i1 to i32
      %cond3A_120 = arith.constant 0 : i32
      %cond3A_121 = arith.cmpi ne, %convert_element_type3A_119, %cond3A_120 : i32
      scf.if %cond3A_121 {
        %add3A_207 = arith.constant 2 : i32
        %add3A_208 = arith.addi %mul3A_74, %add3A_207 : i32
        %add3A_209 = arith.constant 8 : i32
        %add3A_210 = arith.addi %add3A_208, %add3A_209 : i32
        %dma_start3A_211 = arith.constant 0 : i32
        %dma_start3A_212 = tpu.memref_slice %arg6[%add3A_210, %dma_start3A_211] : memref<200x128xi32, #tpu.memory_space<vmem>> -> memref<1x128xi32, #tpu.memory_space<vmem>>
        %dma_start3A_213 = tpu.memref_squeeze %dma_start3A_212 : memref<1x128xi32, #tpu.memory_space<vmem>> -> memref<128xi32, #tpu.memory_space<vmem>>
        %dma_start3A_214 = arith.constant 0 : i32
        %dma_start3A_215 = arith.constant 0 : i32
        %dma_start3A_216 = tpu.memref_slice %arg4[%dma_start3A_214, %dma_start3A_215] : memref<100000x64xf32, #tpu.memory_space<hbm>> -> memref<100000x64xf32, #tpu.memory_space<hbm>>
        tpu.enqueue_indirect_dma source(%dma_start3A_216 : memref<100000x64xf32, #tpu.memory_space<hbm>>) target(%arg7 : memref<128x64xf32, #tpu.memory_space<vmem>>) offsets(%dma_start3A_213 : memref<128xi32, #tpu.memory_space<vmem>>) semaphore(%arg11 : memref<!tpu.dma_semaphore, #tpu.memory_space<semaphore_mem>>) {add = true}
      } else {
      }
      %add3A_122 = arith.constant 3 : i32
      %add3A_123 = arith.addi %mul3A_74, %add3A_122 : i32
      %dma_wait3A_124 = arith.constant 0 : i32
      %dma_wait3A_125 = tpu.memref_slice %arg6[%add3A_123, %dma_wait3A_124] : memref<200x128xi32, #tpu.memory_space<vmem>> -> memref<1x128xi32, #tpu.memory_space<vmem>>
      %dma_wait3A_126 = tpu.memref_squeeze %dma_wait3A_125 : memref<1x128xi32, #tpu.memory_space<vmem>> -> memref<128xi32, #tpu.memory_space<vmem>>
      %dma_wait3A_127 = arith.constant 0 : i32
      %dma_wait3A_128 = arith.constant 0 : i32
      %dma_wait3A_129 = tpu.memref_slice %arg4[%dma_wait3A_127, %dma_wait3A_128] : memref<100000x64xf32, #tpu.memory_space<hbm>> -> memref<100000x64xf32, #tpu.memory_space<hbm>>
      tpu.wait_indirect_dma semaphore(%arg12 : memref<!tpu.dma_semaphore, #tpu.memory_space<semaphore_mem>>) src(%dma_wait3A_129 : memref<100000x64xf32, #tpu.memory_space<hbm>>) dst(%arg7 : memref<128x64xf32, #tpu.memory_space<vmem>>)
      %add3A_130 = arith.constant 3 : i32
      %add3A_131 = arith.addi %mul3A_74, %add3A_130 : i32
      %add3A_132 = arith.constant 8 : i32
      %add3A_133 = arith.addi %add3A_131, %add3A_132 : i32
      %lt3A_134 = arith.constant 200 : i32
      %lt3A_135 = arith.cmpi slt, %add3A_133, %lt3A_134 : i32
      %convert_element_type3A_136 = arith.extui %lt3A_135 : i1 to i32
      %cond3A_137 = arith.constant 0 : i32
      %cond3A_138 = arith.cmpi ne, %convert_element_type3A_136, %cond3A_137 : i32
      scf.if %cond3A_138 {
        %add3A_207 = arith.constant 3 : i32
        %add3A_208 = arith.addi %mul3A_74, %add3A_207 : i32
        %add3A_209 = arith.constant 8 : i32
        %add3A_210 = arith.addi %add3A_208, %add3A_209 : i32
        %dma_start3A_211 = arith.constant 0 : i32
        %dma_start3A_212 = tpu.memref_slice %arg6[%add3A_210, %dma_start3A_211] : memref<200x128xi32, #tpu.memory_space<vmem>> -> memref<1x128xi32, #tpu.memory_space<vmem>>
        %dma_start3A_213 = tpu.memref_squeeze %dma_start3A_212 : memref<1x128xi32, #tpu.memory_space<vmem>> -> memref<128xi32, #tpu.memory_space<vmem>>
        %dma_start3A_214 = arith.constant 0 : i32
        %dma_start3A_215 = arith.constant 0 : i32
        %dma_start3A_216 = tpu.memref_slice %arg4[%dma_start3A_214, %dma_start3A_215] : memref<100000x64xf32, #tpu.memory_space<hbm>> -> memref<100000x64xf32, #tpu.memory_space<hbm>>
        tpu.enqueue_indirect_dma source(%dma_start3A_216 : memref<100000x64xf32, #tpu.memory_space<hbm>>) target(%arg7 : memref<128x64xf32, #tpu.memory_space<vmem>>) offsets(%dma_start3A_213 : memref<128xi32, #tpu.memory_space<vmem>>) semaphore(%arg12 : memref<!tpu.dma_semaphore, #tpu.memory_space<semaphore_mem>>) {add = true}
      } else {
      }
      %add3A_139 = arith.constant 4 : i32
      %add3A_140 = arith.addi %mul3A_74, %add3A_139 : i32
      %dma_wait3A_141 = arith.constant 0 : i32
      %dma_wait3A_142 = tpu.memref_slice %arg6[%add3A_140, %dma_wait3A_141] : memref<200x128xi32, #tpu.memory_space<vmem>> -> memref<1x128xi32, #tpu.memory_space<vmem>>
      %dma_wait3A_143 = tpu.memref_squeeze %dma_wait3A_142 : memref<1x128xi32, #tpu.memory_space<vmem>> -> memref<128xi32, #tpu.memory_space<vmem>>
      %dma_wait3A_144 = arith.constant 0 : i32
      %dma_wait3A_145 = arith.constant 0 : i32
      %dma_wait3A_146 = tpu.memref_slice %arg4[%dma_wait3A_144, %dma_wait3A_145] : memref<100000x64xf32, #tpu.memory_space<hbm>> -> memref<100000x64xf32, #tpu.memory_space<hbm>>
      tpu.wait_indirect_dma semaphore(%arg13 : memref<!tpu.dma_semaphore, #tpu.memory_space<semaphore_mem>>) src(%dma_wait3A_146 : memref<100000x64xf32, #tpu.memory_space<hbm>>) dst(%arg7 : memref<128x64xf32, #tpu.memory_space<vmem>>)
      %add3A_147 = arith.constant 4 : i32
      %add3A_148 = arith.addi %mul3A_74, %add3A_147 : i32
      %add3A_149 = arith.constant 8 : i32
      %add3A_150 = arith.addi %add3A_148, %add3A_149 : i32
      %lt3A_151 = arith.constant 200 : i32
      %lt3A_152 = arith.cmpi slt, %add3A_150, %lt3A_151 : i32
      %convert_element_type3A_153 = arith.extui %lt3A_152 : i1 to i32
      %cond3A_154 = arith.constant 0 : i32
      %cond3A_155 = arith.cmpi ne, %convert_element_type3A_153, %cond3A_154 : i32
      scf.if %cond3A_155 {
        %add3A_207 = arith.constant 4 : i32
        %add3A_208 = arith.addi %mul3A_74, %add3A_207 : i32
        %add3A_209 = arith.constant 8 : i32
        %add3A_210 = arith.addi %add3A_208, %add3A_209 : i32
        %dma_start3A_211 = arith.constant 0 : i32
        %dma_start3A_212 = tpu.memref_slice %arg6[%add3A_210, %dma_start3A_211] : memref<200x128xi32, #tpu.memory_space<vmem>> -> memref<1x128xi32, #tpu.memory_space<vmem>>
        %dma_start3A_213 = tpu.memref_squeeze %dma_start3A_212 : memref<1x128xi32, #tpu.memory_space<vmem>> -> memref<128xi32, #tpu.memory_space<vmem>>
        %dma_start3A_214 = arith.constant 0 : i32
        %dma_start3A_215 = arith.constant 0 : i32
        %dma_start3A_216 = tpu.memref_slice %arg4[%dma_start3A_214, %dma_start3A_215] : memref<100000x64xf32, #tpu.memory_space<hbm>> -> memref<100000x64xf32, #tpu.memory_space<hbm>>
        tpu.enqueue_indirect_dma source(%dma_start3A_216 : memref<100000x64xf32, #tpu.memory_space<hbm>>) target(%arg7 : memref<128x64xf32, #tpu.memory_space<vmem>>) offsets(%dma_start3A_213 : memref<128xi32, #tpu.memory_space<vmem>>) semaphore(%arg13 : memref<!tpu.dma_semaphore, #tpu.memory_space<semaphore_mem>>) {add = true}
      } else {
      }
      %add3A_156 = arith.constant 5 : i32
      %add3A_157 = arith.addi %mul3A_74, %add3A_156 : i32
      %dma_wait3A_158 = arith.constant 0 : i32
      %dma_wait3A_159 = tpu.memref_slice %arg6[%add3A_157, %dma_wait3A_158] : memref<200x128xi32, #tpu.memory_space<vmem>> -> memref<1x128xi32, #tpu.memory_space<vmem>>
      %dma_wait3A_160 = tpu.memref_squeeze %dma_wait3A_159 : memref<1x128xi32, #tpu.memory_space<vmem>> -> memref<128xi32, #tpu.memory_space<vmem>>
      %dma_wait3A_161 = arith.constant 0 : i32
      %dma_wait3A_162 = arith.constant 0 : i32
      %dma_wait3A_163 = tpu.memref_slice %arg4[%dma_wait3A_161, %dma_wait3A_162] : memref<100000x64xf32, #tpu.memory_space<hbm>> -> memref<100000x64xf32, #tpu.memory_space<hbm>>
      tpu.wait_indirect_dma semaphore(%arg14 : memref<!tpu.dma_semaphore, #tpu.memory_space<semaphore_mem>>) src(%dma_wait3A_163 : memref<100000x64xf32, #tpu.memory_space<hbm>>) dst(%arg7 : memref<128x64xf32, #tpu.memory_space<vmem>>)
      %add3A_164 = arith.constant 5 : i32
      %add3A_165 = arith.addi %mul3A_74, %add3A_164 : i32
      %add3A_166 = arith.constant 8 : i32
      %add3A_167 = arith.addi %add3A_165, %add3A_166 : i32
      %lt3A_168 = arith.constant 200 : i32
      %lt3A_169 = arith.cmpi slt, %add3A_167, %lt3A_168 : i32
      %convert_element_type3A_170 = arith.extui %lt3A_169 : i1 to i32
      %cond3A_171 = arith.constant 0 : i32
      %cond3A_172 = arith.cmpi ne, %convert_element_type3A_170, %cond3A_171 : i32
      scf.if %cond3A_172 {
        %add3A_207 = arith.constant 5 : i32
        %add3A_208 = arith.addi %mul3A_74, %add3A_207 : i32
        %add3A_209 = arith.constant 8 : i32
        %add3A_210 = arith.addi %add3A_208, %add3A_209 : i32
        %dma_start3A_211 = arith.constant 0 : i32
        %dma_start3A_212 = tpu.memref_slice %arg6[%add3A_210, %dma_start3A_211] : memref<200x128xi32, #tpu.memory_space<vmem>> -> memref<1x128xi32, #tpu.memory_space<vmem>>
        %dma_start3A_213 = tpu.memref_squeeze %dma_start3A_212 : memref<1x128xi32, #tpu.memory_space<vmem>> -> memref<128xi32, #tpu.memory_space<vmem>>
        %dma_start3A_214 = arith.constant 0 : i32
        %dma_start3A_215 = arith.constant 0 : i32
        %dma_start3A_216 = tpu.memref_slice %arg4[%dma_start3A_214, %dma_start3A_215] : memref<100000x64xf32, #tpu.memory_space<hbm>> -> memref<100000x64xf32, #tpu.memory_space<hbm>>
        tpu.enqueue_indirect_dma source(%dma_start3A_216 : memref<100000x64xf32, #tpu.memory_space<hbm>>) target(%arg7 : memref<128x64xf32, #tpu.memory_space<vmem>>) offsets(%dma_start3A_213 : memref<128xi32, #tpu.memory_space<vmem>>) semaphore(%arg14 : memref<!tpu.dma_semaphore, #tpu.memory_space<semaphore_mem>>) {add = true}
      } else {
      }
      %add3A_173 = arith.constant 6 : i32
      %add3A_174 = arith.addi %mul3A_74, %add3A_173 : i32
      %dma_wait3A_175 = arith.constant 0 : i32
      %dma_wait3A_176 = tpu.memref_slice %arg6[%add3A_174, %dma_wait3A_175] : memref<200x128xi32, #tpu.memory_space<vmem>> -> memref<1x128xi32, #tpu.memory_space<vmem>>
      %dma_wait3A_177 = tpu.memref_squeeze %dma_wait3A_176 : memref<1x128xi32, #tpu.memory_space<vmem>> -> memref<128xi32, #tpu.memory_space<vmem>>
      %dma_wait3A_178 = arith.constant 0 : i32
      %dma_wait3A_179 = arith.constant 0 : i32
      %dma_wait3A_180 = tpu.memref_slice %arg4[%dma_wait3A_178, %dma_wait3A_179] : memref<100000x64xf32, #tpu.memory_space<hbm>> -> memref<100000x64xf32, #tpu.memory_space<hbm>>
      tpu.wait_indirect_dma semaphore(%arg15 : memref<!tpu.dma_semaphore, #tpu.memory_space<semaphore_mem>>) src(%dma_wait3A_180 : memref<100000x64xf32, #tpu.memory_space<hbm>>) dst(%arg7 : memref<128x64xf32, #tpu.memory_space<vmem>>)
      %add3A_181 = arith.constant 6 : i32
      %add3A_182 = arith.addi %mul3A_74, %add3A_181 : i32
      %add3A_183 = arith.constant 8 : i32
      %add3A_184 = arith.addi %add3A_182, %add3A_183 : i32
      %lt3A_185 = arith.constant 200 : i32
      %lt3A_186 = arith.cmpi slt, %add3A_184, %lt3A_185 : i32
      %convert_element_type3A_187 = arith.extui %lt3A_186 : i1 to i32
      %cond3A_188 = arith.constant 0 : i32
      %cond3A_189 = arith.cmpi ne, %convert_element_type3A_187, %cond3A_188 : i32
      scf.if %cond3A_189 {
        %add3A_207 = arith.constant 6 : i32
        %add3A_208 = arith.addi %mul3A_74, %add3A_207 : i32
        %add3A_209 = arith.constant 8 : i32
        %add3A_210 = arith.addi %add3A_208, %add3A_209 : i32
        %dma_start3A_211 = arith.constant 0 : i32
        %dma_start3A_212 = tpu.memref_slice %arg6[%add3A_210, %dma_start3A_211] : memref<200x128xi32, #tpu.memory_space<vmem>> -> memref<1x128xi32, #tpu.memory_space<vmem>>
        %dma_start3A_213 = tpu.memref_squeeze %dma_start3A_212 : memref<1x128xi32, #tpu.memory_space<vmem>> -> memref<128xi32, #tpu.memory_space<vmem>>
        %dma_start3A_214 = arith.constant 0 : i32
        %dma_start3A_215 = arith.constant 0 : i32
        %dma_start3A_216 = tpu.memref_slice %arg4[%dma_start3A_214, %dma_start3A_215] : memref<100000x64xf32, #tpu.memory_space<hbm>> -> memref<100000x64xf32, #tpu.memory_space<hbm>>
        tpu.enqueue_indirect_dma source(%dma_start3A_216 : memref<100000x64xf32, #tpu.memory_space<hbm>>) target(%arg7 : memref<128x64xf32, #tpu.memory_space<vmem>>) offsets(%dma_start3A_213 : memref<128xi32, #tpu.memory_space<vmem>>) semaphore(%arg15 : memref<!tpu.dma_semaphore, #tpu.memory_space<semaphore_mem>>) {add = true}
      } else {
      }
      %add3A_190 = arith.constant 7 : i32
      %add3A_191 = arith.addi %mul3A_74, %add3A_190 : i32
      %dma_wait3A_192 = arith.constant 0 : i32
      %dma_wait3A_193 = tpu.memref_slice %arg6[%add3A_191, %dma_wait3A_192] : memref<200x128xi32, #tpu.memory_space<vmem>> -> memref<1x128xi32, #tpu.memory_space<vmem>>
      %dma_wait3A_194 = tpu.memref_squeeze %dma_wait3A_193 : memref<1x128xi32, #tpu.memory_space<vmem>> -> memref<128xi32, #tpu.memory_space<vmem>>
      %dma_wait3A_195 = arith.constant 0 : i32
      %dma_wait3A_196 = arith.constant 0 : i32
      %dma_wait3A_197 = tpu.memref_slice %arg4[%dma_wait3A_195, %dma_wait3A_196] : memref<100000x64xf32, #tpu.memory_space<hbm>> -> memref<100000x64xf32, #tpu.memory_space<hbm>>
      tpu.wait_indirect_dma semaphore(%arg16 : memref<!tpu.dma_semaphore, #tpu.memory_space<semaphore_mem>>) src(%dma_wait3A_197 : memref<100000x64xf32, #tpu.memory_space<hbm>>) dst(%arg7 : memref<128x64xf32, #tpu.memory_space<vmem>>)
      %add3A_198 = arith.constant 7 : i32
      %add3A_199 = arith.addi %mul3A_74, %add3A_198 : i32
      %add3A_200 = arith.constant 8 : i32
      %add3A_201 = arith.addi %add3A_199, %add3A_200 : i32
      %lt3A_202 = arith.constant 200 : i32
      %lt3A_203 = arith.cmpi slt, %add3A_201, %lt3A_202 : i32
      %convert_element_type3A_204 = arith.extui %lt3A_203 : i1 to i32
      %cond3A_205 = arith.constant 0 : i32
      %cond3A_206 = arith.cmpi ne, %convert_element_type3A_204, %cond3A_205 : i32
      scf.if %cond3A_206 {
        %add3A_207 = arith.constant 7 : i32
        %add3A_208 = arith.addi %mul3A_74, %add3A_207 : i32
        %add3A_209 = arith.constant 8 : i32
        %add3A_210 = arith.addi %add3A_208, %add3A_209 : i32
        %dma_start3A_211 = arith.constant 0 : i32
        %dma_start3A_212 = tpu.memref_slice %arg6[%add3A_210, %dma_start3A_211] : memref<200x128xi32, #tpu.memory_space<vmem>> -> memref<1x128xi32, #tpu.memory_space<vmem>>
        %dma_start3A_213 = tpu.memref_squeeze %dma_start3A_212 : memref<1x128xi32, #tpu.memory_space<vmem>> -> memref<128xi32, #tpu.memory_space<vmem>>
        %dma_start3A_214 = arith.constant 0 : i32
        %dma_start3A_215 = arith.constant 0 : i32
        %dma_start3A_216 = tpu.memref_slice %arg4[%dma_start3A_214, %dma_start3A_215] : memref<100000x64xf32, #tpu.memory_space<hbm>> -> memref<100000x64xf32, #tpu.memory_space<hbm>>
        tpu.enqueue_indirect_dma source(%dma_start3A_216 : memref<100000x64xf32, #tpu.memory_space<hbm>>) target(%arg7 : memref<128x64xf32, #tpu.memory_space<vmem>>) offsets(%dma_start3A_213 : memref<128xi32, #tpu.memory_space<vmem>>) semaphore(%arg16 : memref<!tpu.dma_semaphore, #tpu.memory_space<semaphore_mem>>) {add = true}
      } else {
      }
    }
    %scan3A_64 = arith.constant 25 : i32
    %parallel_loop3A_65 = arith.constant 0 : i32
    %parallel_loop3A_66 = arith.constant 8 : i32
    %parallel_loop3A_67 = arith.constant 1 : i32
    scf.for %parallel_loop3A_68 = %parallel_loop3A_65 to %parallel_loop3A_66 step %parallel_loop3A_67  : i32 {
      %parallel_loop3A_69 = arith.constant 16 : i32
      %parallel_loop3A_70 = arith.muli %parallel_loop3A_68, %parallel_loop3A_69 : i32
      %parallel_loop3A_71 = arith.index_cast %parallel_loop3A_70 : i32 to index
      %parallel_loop3A_72 = tpu.vector_load %arg8[%parallel_loop3A_71] {strides = array<i32>} : memref<128xi32, #tpu.memory_space<vmem>>, vector<16xi32>,
      %parallel_loop3A_73 = vector.shape_cast %parallel_loop3A_72 : vector<16xi32> to vector<16xi32>
      %parallel_loop3A_74 = arith.sitofp %parallel_loop3A_73 : vector<16xi32> to vector<16xf32>
      %parallel_loop3A_75 = arith.constant 1.000000e+00 : f32
      %parallel_loop3A_76 = vector.broadcast %parallel_loop3A_75 : f32 to vector<16xf32>
      %parallel_loop3A_77 = arith.divf %parallel_loop3A_76, %parallel_loop3A_74 : vector<16xf32>
      %parallel_loop3A_78 = vector.extract_strided_slice %parallel_loop3A_77 {offsets = [0], sizes = [1], strides = [1]} : vector<16xf32> to vector<1xf32>
      %parallel_loop3A_79 = vector.extract %parallel_loop3A_78[0] : f32 from vector<1xf32>
      %parallel_loop3A_80 = vector.broadcast %parallel_loop3A_79 : f32 to vector<16xf32>
      %parallel_loop3A_81 = arith.constant 16 : i32
      %parallel_loop3A_82 = arith.muli %parallel_loop3A_68, %parallel_loop3A_81 : i32
      %parallel_loop3A_83 = arith.constant 0 : i32
      %parallel_loop3A_84 = arith.addi %parallel_loop3A_82, %parallel_loop3A_83 : i32
      %parallel_loop3A_85 = arith.index_cast %parallel_loop3A_84 : i32 to index
      %parallel_loop3A_86 = arith.constant 0 : index
      %parallel_loop3A_87 = tpu.vector_load %arg7[%parallel_loop3A_85, %parallel_loop3A_86] {strides = array<i32>} : memref<128x64xf32, #tpu.memory_space<vmem>>, vector<1x16xf32>,
      %parallel_loop3A_88 = vector.shape_cast %parallel_loop3A_87 : vector<1x16xf32> to vector<16xf32>
      %parallel_loop3A_89 = arith.mulf %parallel_loop3A_88, %parallel_loop3A_80 : vector<16xf32>
      %parallel_loop3A_90 = arith.index_cast %parallel_loop3A_84 : i32 to index
      %parallel_loop3A_91 = arith.constant 0 : index
      %parallel_loop3A_92 = tpu.vector_load %arg7[%parallel_loop3A_90, %parallel_loop3A_91] {strides = array<i32>} : memref<128x64xf32, #tpu.memory_space<vmem>>, vector<1x16xf32>,
      %parallel_loop3A_93 = vector.shape_cast %parallel_loop3A_92 : vector<1x16xf32> to vector<16xf32>
      %parallel_loop3A_94 = vector.shape_cast %parallel_loop3A_89 : vector<16xf32> to vector<1x16xf32>
      tpu.vector_store %arg7[%parallel_loop3A_90, %parallel_loop3A_91], %parallel_loop3A_94 {strides = array<i32>} : memref<128x64xf32, #tpu.memory_space<vmem>>, vector<1x16xf32>,
      %parallel_loop3A_95 = arith.index_cast %parallel_loop3A_84 : i32 to index
      %parallel_loop3A_96 = arith.constant 16 : index
      %parallel_loop3A_97 = tpu.vector_load %arg7[%parallel_loop3A_95, %parallel_loop3A_96] {strides = array<i32>} : memref<128x64xf32, #tpu.memory_space<vmem>>, vector<1x16xf32>,
      %parallel_loop3A_98 = vector.shape_cast %parallel_loop3A_97 : vector<1x16xf32> to vector<16xf32>
      %parallel_loop3A_99 = arith.mulf %parallel_loop3A_98, %parallel_loop3A_80 : vector<16xf32>
      %parallel_loop3A_100 = arith.index_cast %parallel_loop3A_84 : i32 to index
      %parallel_loop3A_101 = arith.constant 16 : index
      %parallel_loop3A_102 = tpu.vector_load %arg7[%parallel_loop3A_100, %parallel_loop3A_101] {strides = array<i32>} : memref<128x64xf32, #tpu.memory_space<vmem>>, vector<1x16xf32>,
      %parallel_loop3A_103 = vector.shape_cast %parallel_loop3A_102 : vector<1x16xf32> to vector<16xf32>
      %parallel_loop3A_104 = vector.shape_cast %parallel_loop3A_99 : vector<16xf32> to vector<1x16xf32>
      tpu.vector_store %arg7[%parallel_loop3A_100, %parallel_loop3A_101], %parallel_loop3A_104 {strides = array<i32>} : memref<128x64xf32, #tpu.memory_space<vmem>>, vector<1x16xf32>,
      %parallel_loop3A_105 = arith.index_cast %parallel_loop3A_84 : i32 to index
      %parallel_loop3A_106 = arith.constant 32 : index
      %parallel_loop3A_107 = tpu.vector_load %arg7[%parallel_loop3A_105, %parallel_loop3A_106] {strides = array<i32>} : memref<128x64xf32, #tpu.memory_space<vmem>>, vector<1x16xf32>,
      %parallel_loop3A_108 = vector.shape_cast %parallel_loop3A_107 : vector<1x16xf32> to vector<16xf32>
      %parallel_loop3A_109 = arith.mulf %parallel_loop3A_108, %parallel_loop3A_80 : vector<16xf32>
      %parallel_loop3A_110 = arith.index_cast %parallel_loop3A_84 : i32 to index
      %parallel_loop3A_111 = arith.constant 32 : index
      %parallel_loop3A_112 = tpu.vector_load %arg7[%parallel_loop3A_110, %parallel_loop3A_111] {strides = array<i32>} : memref<128x64xf32, #tpu.memory_space<vmem>>, vector<1x16xf32>,
      %parallel_loop3A_113 = vector.shape_cast %parallel_loop3A_112 : vector<1x16xf32> to vector<16xf32>
      %parallel_loop3A_114 = vector.shape_cast %parallel_loop3A_109 : vector<16xf32> to vector<1x16xf32>
      tpu.vector_store %arg7[%parallel_loop3A_110, %parallel_loop3A_111], %parallel_loop3A_114 {strides = array<i32>} : memref<128x64xf32, #tpu.memory_space<vmem>>, vector<1x16xf32>,
      %parallel_loop3A_115 = arith.index_cast %parallel_loop3A_84 : i32 to index
      %parallel_loop3A_116 = arith.constant 48 : index
      %parallel_loop3A_117 = tpu.vector_load %arg7[%parallel_loop3A_115, %parallel_loop3A_116] {strides = array<i32>} : memref<128x64xf32, #tpu.memory_space<vmem>>, vector<1x16xf32>,
      %parallel_loop3A_118 = vector.shape_cast %parallel_loop3A_117 : vector<1x16xf32> to vector<16xf32>
      %parallel_loop3A_119 = arith.mulf %parallel_loop3A_118, %parallel_loop3A_80 : vector<16xf32>
      %parallel_loop3A_120 = arith.index_cast %parallel_loop3A_84 : i32 to index
      %parallel_loop3A_121 = arith.constant 48 : index
      %parallel_loop3A_122 = tpu.vector_load %arg7[%parallel_loop3A_120, %parallel_loop3A_121] {strides = array<i32>} : memref<128x64xf32, #tpu.memory_space<vmem>>, vector<1x16xf32>,
      %parallel_loop3A_123 = vector.shape_cast %parallel_loop3A_122 : vector<1x16xf32> to vector<16xf32>
      %parallel_loop3A_124 = vector.shape_cast %parallel_loop3A_119 : vector<16xf32> to vector<1x16xf32>
      tpu.vector_store %arg7[%parallel_loop3A_120, %parallel_loop3A_121], %parallel_loop3A_124 {strides = array<i32>} : memref<128x64xf32, #tpu.memory_space<vmem>>, vector<1x16xf32>,
      %parallel_loop3A_125 = vector.extract_strided_slice %parallel_loop3A_77 {offsets = [1], sizes = [1], strides = [1]} : vector<16xf32> to vector<1xf32>
      %parallel_loop3A_126 = vector.extract %parallel_loop3A_125[0] : f32 from vector<1xf32>
      %parallel_loop3A_127 = vector.broadcast %parallel_loop3A_126 : f32 to vector<16xf32>
      %parallel_loop3A_128 = arith.constant 16 : i32
      %parallel_loop3A_129 = arith.muli %parallel_loop3A_68, %parallel_loop3A_128 : i32
      %parallel_loop3A_130 = arith.constant 1 : i32
      %parallel_loop3A_131 = arith.addi %parallel_loop3A_129, %parallel_loop3A_130 : i32
      %parallel_loop3A_132 = arith.index_cast %parallel_loop3A_131 : i32 to index
      %parallel_loop3A_133 = arith.constant 0 : index
      %parallel_loop3A_134 = tpu.vector_load %arg7[%parallel_loop3A_132, %parallel_loop3A_133] {strides = array<i32>} : memref<128x64xf32, #tpu.memory_space<vmem>>, vector<1x16xf32>,
      %parallel_loop3A_135 = vector.shape_cast %parallel_loop3A_134 : vector<1x16xf32> to vector<16xf32>
      %parallel_loop3A_136 = arith.mulf %parallel_loop3A_135, %parallel_loop3A_127 : vector<16xf32>
      %parallel_loop3A_137 = arith.index_cast %parallel_loop3A_131 : i32 to index
      %parallel_loop3A_138 = arith.constant 0 : index
      %parallel_loop3A_139 = tpu.vector_load %arg7[%parallel_loop3A_137, %parallel_loop3A_138] {strides = array<i32>} : memref<128x64xf32, #tpu.memory_space<vmem>>, vector<1x16xf32>,
      %parallel_loop3A_140 = vector.shape_cast %parallel_loop3A_139 : vector<1x16xf32> to vector<16xf32>
      %parallel_loop3A_141 = vector.shape_cast %parallel_loop3A_136 : vector<16xf32> to vector<1x16xf32>
      tpu.vector_store %arg7[%parallel_loop3A_137, %parallel_loop3A_138], %parallel_loop3A_141 {strides = array<i32>} : memref<128x64xf32, #tpu.memory_space<vmem>>, vector<1x16xf32>,
      %parallel_loop3A_142 = arith.index_cast %parallel_loop3A_131 : i32 to index
      %parallel_loop3A_143 = arith.constant 16 : index
      %parallel_loop3A_144 = tpu.vector_load %arg7[%parallel_loop3A_142, %parallel_loop3A_143] {strides = array<i32>} : memref<128x64xf32, #tpu.memory_space<vmem>>, vector<1x16xf32>,
      %parallel_loop3A_145 = vector.shape_cast %parallel_loop3A_144 : vector<1x16xf32> to vector<16xf32>
      %parallel_loop3A_146 = arith.mulf %parallel_loop3A_145, %parallel_loop3A_127 : vector<16xf32>
      %parallel_loop3A_147 = arith.index_cast %parallel_loop3A_131 : i32 to index
      %parallel_loop3A_148 = arith.constant 16 : index
      %parallel_loop3A_149 = tpu.vector_load %arg7[%parallel_loop3A_147, %parallel_loop3A_148] {strides = array<i32>} : memref<128x64xf32, #tpu.memory_space<vmem>>, vector<1x16xf32>,
      %parallel_loop3A_150 = vector.shape_cast %parallel_loop3A_149 : vector<1x16xf32> to vector<16xf32>
      %parallel_loop3A_151 = vector.shape_cast %parallel_loop3A_146 : vector<16xf32> to vector<1x16xf32>
      tpu.vector_store %arg7[%parallel_loop3A_147, %parallel_loop3A_148], %parallel_loop3A_151 {strides = array<i32>} : memref<128x64xf32, #tpu.memory_space<vmem>>, vector<1x16xf32>,
      %parallel_loop3A_152 = arith.index_cast %parallel_loop3A_131 : i32 to index
      %parallel_loop3A_153 = arith.constant 32 : index
      %parallel_loop3A_154 = tpu.vector_load %arg7[%parallel_loop3A_152, %parallel_loop3A_153] {strides = array<i32>} : memref<128x64xf32, #tpu.memory_space<vmem>>, vector<1x16xf32>,
      %parallel_loop3A_155 = vector.shape_cast %parallel_loop3A_154 : vector<1x16xf32> to vector<16xf32>
      %parallel_loop3A_156 = arith.mulf %parallel_loop3A_155, %parallel_loop3A_127 : vector<16xf32>
      %parallel_loop3A_157 = arith.index_cast %parallel_loop3A_131 : i32 to index
      %parallel_loop3A_158 = arith.constant 32 : index
      %parallel_loop3A_159 = tpu.vector_load %arg7[%parallel_loop3A_157, %parallel_loop3A_158] {strides = array<i32>} : memref<128x64xf32, #tpu.memory_space<vmem>>, vector<1x16xf32>,
      %parallel_loop3A_160 = vector.shape_cast %parallel_loop3A_159 : vector<1x16xf32> to vector<16xf32>
      %parallel_loop3A_161 = vector.shape_cast %parallel_loop3A_156 : vector<16xf32> to vector<1x16xf32>
      tpu.vector_store %arg7[%parallel_loop3A_157, %parallel_loop3A_158], %parallel_loop3A_161 {strides = array<i32>} : memref<128x64xf32, #tpu.memory_space<vmem>>, vector<1x16xf32>,
      %parallel_loop3A_162 = arith.index_cast %parallel_loop3A_131 : i32 to index
      %parallel_loop3A_163 = arith.constant 48 : index
      %parallel_loop3A_164 = tpu.vector_load %arg7[%parallel_loop3A_162, %parallel_loop3A_163] {strides = array<i32>} : memref<128x64xf32, #tpu.memory_space<vmem>>, vector<1x16xf32>,
      %parallel_loop3A_165 = vector.shape_cast %parallel_loop3A_164 : vector<1x16xf32> to vector<16xf32>
      %parallel_loop3A_166 = arith.mulf %parallel_loop3A_165, %parallel_loop3A_127 : vector<16xf32>
      %parallel_loop3A_167 = arith.index_cast %parallel_loop3A_131 : i32 to index
      %parallel_loop3A_168 = arith.constant 48 : index
      %parallel_loop3A_169 = tpu.vector_load %arg7[%parallel_loop3A_167, %parallel_loop3A_168] {strides = array<i32>} : memref<128x64xf32, #tpu.memory_space<vmem>>, vector<1x16xf32>,
      %parallel_loop3A_170 = vector.shape_cast %parallel_loop3A_169 : vector<1x16xf32> to vector<16xf32>
      %parallel_loop3A_171 = vector.shape_cast %parallel_loop3A_166 : vector<16xf32> to vector<1x16xf32>
      tpu.vector_store %arg7[%parallel_loop3A_167, %parallel_loop3A_168], %parallel_loop3A_171 {strides = array<i32>} : memref<128x64xf32, #tpu.memory_space<vmem>>, vector<1x16xf32>,
      %parallel_loop3A_172 = vector.extract_strided_slice %parallel_loop3A_77 {offsets = [2], sizes = [1], strides = [1]} : vector<16xf32> to vector<1xf32>
      %parallel_loop3A_173 = vector.extract %parallel_loop3A_172[0] : f32 from vector<1xf32>
      %parallel_loop3A_174 = vector.broadcast %parallel_loop3A_173 : f32 to vector<16xf32>
      %parallel_loop3A_175 = arith.constant 16 : i32
      %parallel_loop3A_176 = arith.muli %parallel_loop3A_68, %parallel_loop3A_175 : i32
      %parallel_loop3A_177 = arith.constant 2 : i32
      %parallel_loop3A_178 = arith.addi %parallel_loop3A_176, %parallel_loop3A_177 : i32
      %parallel_loop3A_179 = arith.index_cast %parallel_loop3A_178 : i32 to index
      %parallel_loop3A_180 = arith.constant 0 : index
      %parallel_loop3A_181 = tpu.vector_load %arg7[%parallel_loop3A_179, %parallel_loop3A_180] {strides = array<i32>} : memref<128x64xf32, #tpu.memory_space<vmem>>, vector<1x16xf32>,
      %parallel_loop3A_182 = vector.shape_cast %parallel_loop3A_181 : vector<1x16xf32> to vector<16xf32>
      %parallel_loop3A_183 = arith.mulf %parallel_loop3A_182, %parallel_loop3A_174 : vector<16xf32>
      %parallel_loop3A_184 = arith.index_cast %parallel_loop3A_178 : i32 to index
      %parallel_loop3A_185 = arith.constant 0 : index
      %parallel_loop3A_186 = tpu.vector_load %arg7[%parallel_loop3A_184, %parallel_loop3A_185] {strides = array<i32>} : memref<128x64xf32, #tpu.memory_space<vmem>>, vector<1x16xf32>,
      %parallel_loop3A_187 = vector.shape_cast %parallel_loop3A_186 : vector<1x16xf32> to vector<16xf32>
      %parallel_loop3A_188 = vector.shape_cast %parallel_loop3A_183 : vector<16xf32> to vector<1x16xf32>
      tpu.vector_store %arg7[%parallel_loop3A_184, %parallel_loop3A_185], %parallel_loop3A_188 {strides = array<i32>} : memref<128x64xf32, #tpu.memory_space<vmem>>, vector<1x16xf32>,
      %parallel_loop3A_189 = arith.index_cast %parallel_loop3A_178 : i32 to index
      %parallel_loop3A_190 = arith.constant 16 : index
      %parallel_loop3A_191 = tpu.vector_load %arg7[%parallel_loop3A_189, %parallel_loop3A_190] {strides = array<i32>} : memref<128x64xf32, #tpu.memory_space<vmem>>, vector<1x16xf32>,
      %parallel_loop3A_192 = vector.shape_cast %parallel_loop3A_191 : vector<1x16xf32> to vector<16xf32>
      %parallel_loop3A_193 = arith.mulf %parallel_loop3A_192, %parallel_loop3A_174 : vector<16xf32>
      %parallel_loop3A_194 = arith.index_cast %parallel_loop3A_178 : i32 to index
      %parallel_loop3A_195 = arith.constant 16 : index
      %parallel_loop3A_196 = tpu.vector_load %arg7[%parallel_loop3A_194, %parallel_loop3A_195] {strides = array<i32>} : memref<128x64xf32, #tpu.memory_space<vmem>>, vector<1x16xf32>,
      %parallel_loop3A_197 = vector.shape_cast %parallel_loop3A_196 : vector<1x16xf32> to vector<16xf32>
      %parallel_loop3A_198 = vector.shape_cast %parallel_loop3A_193 : vector<16xf32> to vector<1x16xf32>
      tpu.vector_store %arg7[%parallel_loop3A_194, %parallel_loop3A_195], %parallel_loop3A_198 {strides = array<i32>} : memref<128x64xf32, #tpu.memory_space<vmem>>, vector<1x16xf32>,
      %parallel_loop3A_199 = arith.index_cast %parallel_loop3A_178 : i32 to index
      %parallel_loop3A_200 = arith.constant 32 : index
      %parallel_loop3A_201 = tpu.vector_load %arg7[%parallel_loop3A_199, %parallel_loop3A_200] {strides = array<i32>} : memref<128x64xf32, #tpu.memory_space<vmem>>, vector<1x16xf32>,
      %parallel_loop3A_202 = vector.shape_cast %parallel_loop3A_201 : vector<1x16xf32> to vector<16xf32>
      %parallel_loop3A_203 = arith.mulf %parallel_loop3A_202, %parallel_loop3A_174 : vector<16xf32>
      %parallel_loop3A_204 = arith.index_cast %parallel_loop3A_178 : i32 to index
      %parallel_loop3A_205 = arith.constant 32 : index
      %parallel_loop3A_206 = tpu.vector_load %arg7[%parallel_loop3A_204, %parallel_loop3A_205] {strides = array<i32>} : memref<128x64xf32, #tpu.memory_space<vmem>>, vector<1x16xf32>,
      %parallel_loop3A_207 = vector.shape_cast %parallel_loop3A_206 : vector<1x16xf32> to vector<16xf32>
      %parallel_loop3A_208 = vector.shape_cast %parallel_loop3A_203 : vector<16xf32> to vector<1x16xf32>
      tpu.vector_store %arg7[%parallel_loop3A_204, %parallel_loop3A_205], %parallel_loop3A_208 {strides = array<i32>} : memref<128x64xf32, #tpu.memory_space<vmem>>, vector<1x16xf32>,
      %parallel_loop3A_209 = arith.index_cast %parallel_loop3A_178 : i32 to index
      %parallel_loop3A_210 = arith.constant 48 : index
      %parallel_loop3A_211 = tpu.vector_load %arg7[%parallel_loop3A_209, %parallel_loop3A_210] {strides = array<i32>} : memref<128x64xf32, #tpu.memory_space<vmem>>, vector<1x16xf32>,
      %parallel_loop3A_212 = vector.shape_cast %parallel_loop3A_211 : vector<1x16xf32> to vector<16xf32>
      %parallel_loop3A_213 = arith.mulf %parallel_loop3A_212, %parallel_loop3A_174 : vector<16xf32>
      %parallel_loop3A_214 = arith.index_cast %parallel_loop3A_178 : i32 to index
      %parallel_loop3A_215 = arith.constant 48 : index
      %parallel_loop3A_216 = tpu.vector_load %arg7[%parallel_loop3A_214, %parallel_loop3A_215] {strides = array<i32>} : memref<128x64xf32, #tpu.memory_space<vmem>>, vector<1x16xf32>,
      %parallel_loop3A_217 = vector.shape_cast %parallel_loop3A_216 : vector<1x16xf32> to vector<16xf32>
      %parallel_loop3A_218 = vector.shape_cast %parallel_loop3A_213 : vector<16xf32> to vector<1x16xf32>
      tpu.vector_store %arg7[%parallel_loop3A_214, %parallel_loop3A_215], %parallel_loop3A_218 {strides = array<i32>} : memref<128x64xf32, #tpu.memory_space<vmem>>, vector<1x16xf32>,
      %parallel_loop3A_219 = vector.extract_strided_slice %parallel_loop3A_77 {offsets = [3], sizes = [1], strides = [1]} : vector<16xf32> to vector<1xf32>
      %parallel_loop3A_220 = vector.extract %parallel_loop3A_219[0] : f32 from vector<1xf32>
      %parallel_loop3A_221 = vector.broadcast %parallel_loop3A_220 : f32 to vector<16xf32>
      %parallel_loop3A_222 = arith.constant 16 : i32
      %parallel_loop3A_223 = arith.muli %parallel_loop3A_68, %parallel_loop3A_222 : i32
      %parallel_loop3A_224 = arith.constant 3 : i32
      %parallel_loop3A_225 = arith.addi %parallel_loop3A_223, %parallel_loop3A_224 : i32
      %parallel_loop3A_226 = arith.index_cast %parallel_loop3A_225 : i32 to index
      %parallel_loop3A_227 = arith.constant 0 : index
      %parallel_loop3A_228 = tpu.vector_load %arg7[%parallel_loop3A_226, %parallel_loop3A_227] {strides = array<i32>} : memref<128x64xf32, #tpu.memory_space<vmem>>, vector<1x16xf32>,
      %parallel_loop3A_229 = vector.shape_cast %parallel_loop3A_228 : vector<1x16xf32> to vector<16xf32>
      %parallel_loop3A_230 = arith.mulf %parallel_loop3A_229, %parallel_loop3A_221 : vector<16xf32>
      %parallel_loop3A_231 = arith.index_cast %parallel_loop3A_225 : i32 to index
      %parallel_loop3A_232 = arith.constant 0 : index
      %parallel_loop3A_233 = tpu.vector_load %arg7[%parallel_loop3A_231, %parallel_loop3A_232] {strides = array<i32>} : memref<128x64xf32, #tpu.memory_space<vmem>>, vector<1x16xf32>,
      %parallel_loop3A_234 = vector.shape_cast %parallel_loop3A_233 : vector<1x16xf32> to vector<16xf32>
      %parallel_loop3A_235 = vector.shape_cast %parallel_loop3A_230 : vector<16xf32> to vector<1x16xf32>
      tpu.vector_store %arg7[%parallel_loop3A_231, %parallel_loop3A_232], %parallel_loop3A_235 {strides = array<i32>} : memref<128x64xf32, #tpu.memory_space<vmem>>, vector<1x16xf32>,
      %parallel_loop3A_236 = arith.index_cast %parallel_loop3A_225 : i32 to index
      %parallel_loop3A_237 = arith.constant 16 : index
      %parallel_loop3A_238 = tpu.vector_load %arg7[%parallel_loop3A_236, %parallel_loop3A_237] {strides = array<i32>} : memref<128x64xf32, #tpu.memory_space<vmem>>, vector<1x16xf32>,
      %parallel_loop3A_239 = vector.shape_cast %parallel_loop3A_238 : vector<1x16xf32> to vector<16xf32>
      %parallel_loop3A_240 = arith.mulf %parallel_loop3A_239, %parallel_loop3A_221 : vector<16xf32>
      %parallel_loop3A_241 = arith.index_cast %parallel_loop3A_225 : i32 to index
      %parallel_loop3A_242 = arith.constant 16 : index
      %parallel_loop3A_243 = tpu.vector_load %arg7[%parallel_loop3A_241, %parallel_loop3A_242] {strides = array<i32>} : memref<128x64xf32, #tpu.memory_space<vmem>>, vector<1x16xf32>,
      %parallel_loop3A_244 = vector.shape_cast %parallel_loop3A_243 : vector<1x16xf32> to vector<16xf32>
      %parallel_loop3A_245 = vector.shape_cast %parallel_loop3A_240 : vector<16xf32> to vector<1x16xf32>
      tpu.vector_store %arg7[%parallel_loop3A_241, %parallel_loop3A_242], %parallel_loop3A_245 {strides = array<i32>} : memref<128x64xf32, #tpu.memory_space<vmem>>, vector<1x16xf32>,
      %parallel_loop3A_246 = arith.index_cast %parallel_loop3A_225 : i32 to index
      %parallel_loop3A_247 = arith.constant 32 : index
      %parallel_loop3A_248 = tpu.vector_load %arg7[%parallel_loop3A_246, %parallel_loop3A_247] {strides = array<i32>} : memref<128x64xf32, #tpu.memory_space<vmem>>, vector<1x16xf32>,
      %parallel_loop3A_249 = vector.shape_cast %parallel_loop3A_248 : vector<1x16xf32> to vector<16xf32>
      %parallel_loop3A_250 = arith.mulf %parallel_loop3A_249, %parallel_loop3A_221 : vector<16xf32>
      %parallel_loop3A_251 = arith.index_cast %parallel_loop3A_225 : i32 to index
      %parallel_loop3A_252 = arith.constant 32 : index
      %parallel_loop3A_253 = tpu.vector_load %arg7[%parallel_loop3A_251, %parallel_loop3A_252] {strides = array<i32>} : memref<128x64xf32, #tpu.memory_space<vmem>>, vector<1x16xf32>,
      %parallel_loop3A_254 = vector.shape_cast %parallel_loop3A_253 : vector<1x16xf32> to vector<16xf32>
      %parallel_loop3A_255 = vector.shape_cast %parallel_loop3A_250 : vector<16xf32> to vector<1x16xf32>
      tpu.vector_store %arg7[%parallel_loop3A_251, %parallel_loop3A_252], %parallel_loop3A_255 {strides = array<i32>} : memref<128x64xf32, #tpu.memory_space<vmem>>, vector<1x16xf32>,
      %parallel_loop3A_256 = arith.index_cast %parallel_loop3A_225 : i32 to index
      %parallel_loop3A_257 = arith.constant 48 : index
      %parallel_loop3A_258 = tpu.vector_load %arg7[%parallel_loop3A_256, %parallel_loop3A_257] {strides = array<i32>} : memref<128x64xf32, #tpu.memory_space<vmem>>, vector<1x16xf32>,
      %parallel_loop3A_259 = vector.shape_cast %parallel_loop3A_258 : vector<1x16xf32> to vector<16xf32>
      %parallel_loop3A_260 = arith.mulf %parallel_loop3A_259, %parallel_loop3A_221 : vector<16xf32>
      %parallel_loop3A_261 = arith.index_cast %parallel_loop3A_225 : i32 to index
      %parallel_loop3A_262 = arith.constant 48 : index
      %parallel_loop3A_263 = tpu.vector_load %arg7[%parallel_loop3A_261, %parallel_loop3A_262] {strides = array<i32>} : memref<128x64xf32, #tpu.memory_space<vmem>>, vector<1x16xf32>,
      %parallel_loop3A_264 = vector.shape_cast %parallel_loop3A_263 : vector<1x16xf32> to vector<16xf32>
      %parallel_loop3A_265 = vector.shape_cast %parallel_loop3A_260 : vector<16xf32> to vector<1x16xf32>
      tpu.vector_store %arg7[%parallel_loop3A_261, %parallel_loop3A_262], %parallel_loop3A_265 {strides = array<i32>} : memref<128x64xf32, #tpu.memory_space<vmem>>, vector<1x16xf32>,
      %parallel_loop3A_266 = vector.extract_strided_slice %parallel_loop3A_77 {offsets = [4], sizes = [1], strides = [1]} : vector<16xf32> to vector<1xf32>
      %parallel_loop3A_267 = vector.extract %parallel_loop3A_266[0] : f32 from vector<1xf32>
      %parallel_loop3A_268 = vector.broadcast %parallel_loop3A_267 : f32 to vector<16xf32>
      %parallel_loop3A_269 = arith.constant 16 : i32
      %parallel_loop3A_270 = arith.muli %parallel_loop3A_68, %parallel_loop3A_269 : i32
      %parallel_loop3A_271 = arith.constant 4 : i32
      %parallel_loop3A_272 = arith.addi %parallel_loop3A_270, %parallel_loop3A_271 : i32
      %parallel_loop3A_273 = arith.index_cast %parallel_loop3A_272 : i32 to index
      %parallel_loop3A_274 = arith.constant 0 : index
      %parallel_loop3A_275 = tpu.vector_load %arg7[%parallel_loop3A_273, %parallel_loop3A_274] {strides = array<i32>} : memref<128x64xf32, #tpu.memory_space<vmem>>, vector<1x16xf32>,
      %parallel_loop3A_276 = vector.shape_cast %parallel_loop3A_275 : vector<1x16xf32> to vector<16xf32>
      %parallel_loop3A_277 = arith.mulf %parallel_loop3A_276, %parallel_loop3A_268 : vector<16xf32>
      %parallel_loop3A_278 = arith.index_cast %parallel_loop3A_272 : i32 to index
      %parallel_loop3A_279 = arith.constant 0 : index
      %parallel_loop3A_280 = tpu.vector_load %arg7[%parallel_loop3A_278, %parallel_loop3A_279] {strides = array<i32>} : memref<128x64xf32, #tpu.memory_space<vmem>>, vector<1x16xf32>,
      %parallel_loop3A_281 = vector.shape_cast %parallel_loop3A_280 : vector<1x16xf32> to vector<16xf32>
      %parallel_loop3A_282 = vector.shape_cast %parallel_loop3A_277 : vector<16xf32> to vector<1x16xf32>
      tpu.vector_store %arg7[%parallel_loop3A_278, %parallel_loop3A_279], %parallel_loop3A_282 {strides = array<i32>} : memref<128x64xf32, #tpu.memory_space<vmem>>, vector<1x16xf32>,
      %parallel_loop3A_283 = arith.index_cast %parallel_loop3A_272 : i32 to index
      %parallel_loop3A_284 = arith.constant 16 : index
      %parallel_loop3A_285 = tpu.vector_load %arg7[%parallel_loop3A_283, %parallel_loop3A_284] {strides = array<i32>} : memref<128x64xf32, #tpu.memory_space<vmem>>, vector<1x16xf32>,
      %parallel_loop3A_286 = vector.shape_cast %parallel_loop3A_285 : vector<1x16xf32> to vector<16xf32>
      %parallel_loop3A_287 = arith.mulf %parallel_loop3A_286, %parallel_loop3A_268 : vector<16xf32>
      %parallel_loop3A_288 = arith.index_cast %parallel_loop3A_272 : i32 to index
      %parallel_loop3A_289 = arith.constant 16 : index
      %parallel_loop3A_290 = tpu.vector_load %arg7[%parallel_loop3A_288, %parallel_loop3A_289] {strides = array<i32>} : memref<128x64xf32, #tpu.memory_space<vmem>>, vector<1x16xf32>,
      %parallel_loop3A_291 = vector.shape_cast %parallel_loop3A_290 : vector<1x16xf32> to vector<16xf32>
      %parallel_loop3A_292 = vector.shape_cast %parallel_loop3A_287 : vector<16xf32> to vector<1x16xf32>
      tpu.vector_store %arg7[%parallel_loop3A_288, %parallel_loop3A_289], %parallel_loop3A_292 {strides = array<i32>} : memref<128x64xf32, #tpu.memory_space<vmem>>, vector<1x16xf32>,
      %parallel_loop3A_293 = arith.index_cast %parallel_loop3A_272 : i32 to index
      %parallel_loop3A_294 = arith.constant 32 : index
      %parallel_loop3A_295 = tpu.vector_load %arg7[%parallel_loop3A_293, %parallel_loop3A_294] {strides = array<i32>} : memref<128x64xf32, #tpu.memory_space<vmem>>, vector<1x16xf32>,
      %parallel_loop3A_296 = vector.shape_cast %parallel_loop3A_295 : vector<1x16xf32> to vector<16xf32>
      %parallel_loop3A_297 = arith.mulf %parallel_loop3A_296, %parallel_loop3A_268 : vector<16xf32>
      %parallel_loop3A_298 = arith.index_cast %parallel_loop3A_272 : i32 to index
      %parallel_loop3A_299 = arith.constant 32 : index
      %parallel_loop3A_300 = tpu.vector_load %arg7[%parallel_loop3A_298, %parallel_loop3A_299] {strides = array<i32>} : memref<128x64xf32, #tpu.memory_space<vmem>>, vector<1x16xf32>,
      %parallel_loop3A_301 = vector.shape_cast %parallel_loop3A_300 : vector<1x16xf32> to vector<16xf32>
      %parallel_loop3A_302 = vector.shape_cast %parallel_loop3A_297 : vector<16xf32> to vector<1x16xf32>
      tpu.vector_store %arg7[%parallel_loop3A_298, %parallel_loop3A_299], %parallel_loop3A_302 {strides = array<i32>} : memref<128x64xf32, #tpu.memory_space<vmem>>, vector<1x16xf32>,
      %parallel_loop3A_303 = arith.index_cast %parallel_loop3A_272 : i32 to index
      %parallel_loop3A_304 = arith.constant 48 : index
      %parallel_loop3A_305 = tpu.vector_load %arg7[%parallel_loop3A_303, %parallel_loop3A_304] {strides = array<i32>} : memref<128x64xf32, #tpu.memory_space<vmem>>, vector<1x16xf32>,
      %parallel_loop3A_306 = vector.shape_cast %parallel_loop3A_305 : vector<1x16xf32> to vector<16xf32>
      %parallel_loop3A_307 = arith.mulf %parallel_loop3A_306, %parallel_loop3A_268 : vector<16xf32>
      %parallel_loop3A_308 = arith.index_cast %parallel_loop3A_272 : i32 to index
      %parallel_loop3A_309 = arith.constant 48 : index
      %parallel_loop3A_310 = tpu.vector_load %arg7[%parallel_loop3A_308, %parallel_loop3A_309] {strides = array<i32>} : memref<128x64xf32, #tpu.memory_space<vmem>>, vector<1x16xf32>,
      %parallel_loop3A_311 = vector.shape_cast %parallel_loop3A_310 : vector<1x16xf32> to vector<16xf32>
      %parallel_loop3A_312 = vector.shape_cast %parallel_loop3A_307 : vector<16xf32> to vector<1x16xf32>
      tpu.vector_store %arg7[%parallel_loop3A_308, %parallel_loop3A_309], %parallel_loop3A_312 {strides = array<i32>} : memref<128x64xf32, #tpu.memory_space<vmem>>, vector<1x16xf32>,
      %parallel_loop3A_313 = vector.extract_strided_slice %parallel_loop3A_77 {offsets = [5], sizes = [1], strides = [1]} : vector<16xf32> to vector<1xf32>
      %parallel_loop3A_314 = vector.extract %parallel_loop3A_313[0] : f32 from vector<1xf32>
      %parallel_loop3A_315 = vector.broadcast %parallel_loop3A_314 : f32 to vector<16xf32>
      %parallel_loop3A_316 = arith.constant 16 : i32
      %parallel_loop3A_317 = arith.muli %parallel_loop3A_68, %parallel_loop3A_316 : i32
      %parallel_loop3A_318 = arith.constant 5 : i32
      %parallel_loop3A_319 = arith.addi %parallel_loop3A_317, %parallel_loop3A_318 : i32
      %parallel_loop3A_320 = arith.index_cast %parallel_loop3A_319 : i32 to index
      %parallel_loop3A_321 = arith.constant 0 : index
      %parallel_loop3A_322 = tpu.vector_load %arg7[%parallel_loop3A_320, %parallel_loop3A_321] {strides = array<i32>} : memref<128x64xf32, #tpu.memory_space<vmem>>, vector<1x16xf32>,
      %parallel_loop3A_323 = vector.shape_cast %parallel_loop3A_322 : vector<1x16xf32> to vector<16xf32>
      %parallel_loop3A_324 = arith.mulf %parallel_loop3A_323, %parallel_loop3A_315 : vector<16xf32>
      %parallel_loop3A_325 = arith.index_cast %parallel_loop3A_319 : i32 to index
      %parallel_loop3A_326 = arith.constant 0 : index
      %parallel_loop3A_327 = tpu.vector_load %arg7[%parallel_loop3A_325, %parallel_loop3A_326] {strides = array<i32>} : memref<128x64xf32, #tpu.memory_space<vmem>>, vector<1x16xf32>,
      %parallel_loop3A_328 = vector.shape_cast %parallel_loop3A_327 : vector<1x16xf32> to vector<16xf32>
      %parallel_loop3A_329 = vector.shape_cast %parallel_loop3A_324 : vector<16xf32> to vector<1x16xf32>
      tpu.vector_store %arg7[%parallel_loop3A_325, %parallel_loop3A_326], %parallel_loop3A_329 {strides = array<i32>} : memref<128x64xf32, #tpu.memory_space<vmem>>, vector<1x16xf32>,
      %parallel_loop3A_330 = arith.index_cast %parallel_loop3A_319 : i32 to index
      %parallel_loop3A_331 = arith.constant 16 : index
      %parallel_loop3A_332 = tpu.vector_load %arg7[%parallel_loop3A_330, %parallel_loop3A_331] {strides = array<i32>} : memref<128x64xf32, #tpu.memory_space<vmem>>, vector<1x16xf32>,
      %parallel_loop3A_333 = vector.shape_cast %parallel_loop3A_332 : vector<1x16xf32> to vector<16xf32>
      %parallel_loop3A_334 = arith.mulf %parallel_loop3A_333, %parallel_loop3A_315 : vector<16xf32>
      %parallel_loop3A_335 = arith.index_cast %parallel_loop3A_319 : i32 to index
      %parallel_loop3A_336 = arith.constant 16 : index
      %parallel_loop3A_337 = tpu.vector_load %arg7[%parallel_loop3A_335, %parallel_loop3A_336] {strides = array<i32>} : memref<128x64xf32, #tpu.memory_space<vmem>>, vector<1x16xf32>,
      %parallel_loop3A_338 = vector.shape_cast %parallel_loop3A_337 : vector<1x16xf32> to vector<16xf32>
      %parallel_loop3A_339 = vector.shape_cast %parallel_loop3A_334 : vector<16xf32> to vector<1x16xf32>
      tpu.vector_store %arg7[%parallel_loop3A_335, %parallel_loop3A_336], %parallel_loop3A_339 {strides = array<i32>} : memref<128x64xf32, #tpu.memory_space<vmem>>, vector<1x16xf32>,
      %parallel_loop3A_340 = arith.index_cast %parallel_loop3A_319 : i32 to index
      %parallel_loop3A_341 = arith.constant 32 : index
      %parallel_loop3A_342 = tpu.vector_load %arg7[%parallel_loop3A_340, %parallel_loop3A_341] {strides = array<i32>} : memref<128x64xf32, #tpu.memory_space<vmem>>, vector<1x16xf32>,
      %parallel_loop3A_343 = vector.shape_cast %parallel_loop3A_342 : vector<1x16xf32> to vector<16xf32>
      %parallel_loop3A_344 = arith.mulf %parallel_loop3A_343, %parallel_loop3A_315 : vector<16xf32>
      %parallel_loop3A_345 = arith.index_cast %parallel_loop3A_319 : i32 to index
      %parallel_loop3A_346 = arith.constant 32 : index
      %parallel_loop3A_347 = tpu.vector_load %arg7[%parallel_loop3A_345, %parallel_loop3A_346] {strides = array<i32>} : memref<128x64xf32, #tpu.memory_space<vmem>>, vector<1x16xf32>,
      %parallel_loop3A_348 = vector.shape_cast %parallel_loop3A_347 : vector<1x16xf32> to vector<16xf32>
      %parallel_loop3A_349 = vector.shape_cast %parallel_loop3A_344 : vector<16xf32> to vector<1x16xf32>
      tpu.vector_store %arg7[%parallel_loop3A_345, %parallel_loop3A_346], %parallel_loop3A_349 {strides = array<i32>} : memref<128x64xf32, #tpu.memory_space<vmem>>, vector<1x16xf32>,
      %parallel_loop3A_350 = arith.index_cast %parallel_loop3A_319 : i32 to index
      %parallel_loop3A_351 = arith.constant 48 : index
      %parallel_loop3A_352 = tpu.vector_load %arg7[%parallel_loop3A_350, %parallel_loop3A_351] {strides = array<i32>} : memref<128x64xf32, #tpu.memory_space<vmem>>, vector<1x16xf32>,
      %parallel_loop3A_353 = vector.shape_cast %parallel_loop3A_352 : vector<1x16xf32> to vector<16xf32>
      %parallel_loop3A_354 = arith.mulf %parallel_loop3A_353, %parallel_loop3A_315 : vector<16xf32>
      %parallel_loop3A_355 = arith.index_cast %parallel_loop3A_319 : i32 to index
      %parallel_loop3A_356 = arith.constant 48 : index
      %parallel_loop3A_357 = tpu.vector_load %arg7[%parallel_loop3A_355, %parallel_loop3A_356] {strides = array<i32>} : memref<128x64xf32, #tpu.memory_space<vmem>>, vector<1x16xf32>,
      %parallel_loop3A_358 = vector.shape_cast %parallel_loop3A_357 : vector<1x16xf32> to vector<16xf32>
      %parallel_loop3A_359 = vector.shape_cast %parallel_loop3A_354 : vector<16xf32> to vector<1x16xf32>
      tpu.vector_store %arg7[%parallel_loop3A_355, %parallel_loop3A_356], %parallel_loop3A_359 {strides = array<i32>} : memref<128x64xf32, #tpu.memory_space<vmem>>, vector<1x16xf32>,
      %parallel_loop3A_360 = vector.extract_strided_slice %parallel_loop3A_77 {offsets = [6], sizes = [1], strides = [1]} : vector<16xf32> to vector<1xf32>
      %parallel_loop3A_361 = vector.extract %parallel_loop3A_360[0] : f32 from vector<1xf32>
      %parallel_loop3A_362 = vector.broadcast %parallel_loop3A_361 : f32 to vector<16xf32>
      %parallel_loop3A_363 = arith.constant 16 : i32
      %parallel_loop3A_364 = arith.muli %parallel_loop3A_68, %parallel_loop3A_363 : i32
      %parallel_loop3A_365 = arith.constant 6 : i32
      %parallel_loop3A_366 = arith.addi %parallel_loop3A_364, %parallel_loop3A_365 : i32
      %parallel_loop3A_367 = arith.index_cast %parallel_loop3A_366 : i32 to index
      %parallel_loop3A_368 = arith.constant 0 : index
      %parallel_loop3A_369 = tpu.vector_load %arg7[%parallel_loop3A_367, %parallel_loop3A_368] {strides = array<i32>} : memref<128x64xf32, #tpu.memory_space<vmem>>, vector<1x16xf32>,
      %parallel_loop3A_370 = vector.shape_cast %parallel_loop3A_369 : vector<1x16xf32> to vector<16xf32>
      %parallel_loop3A_371 = arith.mulf %parallel_loop3A_370, %parallel_loop3A_362 : vector<16xf32>
      %parallel_loop3A_372 = arith.index_cast %parallel_loop3A_366 : i32 to index
      %parallel_loop3A_373 = arith.constant 0 : index
      %parallel_loop3A_374 = tpu.vector_load %arg7[%parallel_loop3A_372, %parallel_loop3A_373] {strides = array<i32>} : memref<128x64xf32, #tpu.memory_space<vmem>>, vector<1x16xf32>,
      %parallel_loop3A_375 = vector.shape_cast %parallel_loop3A_374 : vector<1x16xf32> to vector<16xf32>
      %parallel_loop3A_376 = vector.shape_cast %parallel_loop3A_371 : vector<16xf32> to vector<1x16xf32>
      tpu.vector_store %arg7[%parallel_loop3A_372, %parallel_loop3A_373], %parallel_loop3A_376 {strides = array<i32>} : memref<128x64xf32, #tpu.memory_space<vmem>>, vector<1x16xf32>,
      %parallel_loop3A_377 = arith.index_cast %parallel_loop3A_366 : i32 to index
      %parallel_loop3A_378 = arith.constant 16 : index
      %parallel_loop3A_379 = tpu.vector_load %arg7[%parallel_loop3A_377, %parallel_loop3A_378] {strides = array<i32>} : memref<128x64xf32, #tpu.memory_space<vmem>>, vector<1x16xf32>,
      %parallel_loop3A_380 = vector.shape_cast %parallel_loop3A_379 : vector<1x16xf32> to vector<16xf32>
      %parallel_loop3A_381 = arith.mulf %parallel_loop3A_380, %parallel_loop3A_362 : vector<16xf32>
      %parallel_loop3A_382 = arith.index_cast %parallel_loop3A_366 : i32 to index
      %parallel_loop3A_383 = arith.constant 16 : index
      %parallel_loop3A_384 = tpu.vector_load %arg7[%parallel_loop3A_382, %parallel_loop3A_383] {strides = array<i32>} : memref<128x64xf32, #tpu.memory_space<vmem>>, vector<1x16xf32>,
      %parallel_loop3A_385 = vector.shape_cast %parallel_loop3A_384 : vector<1x16xf32> to vector<16xf32>
      %parallel_loop3A_386 = vector.shape_cast %parallel_loop3A_381 : vector<16xf32> to vector<1x16xf32>
      tpu.vector_store %arg7[%parallel_loop3A_382, %parallel_loop3A_383], %parallel_loop3A_386 {strides = array<i32>} : memref<128x64xf32, #tpu.memory_space<vmem>>, vector<1x16xf32>,
      %parallel_loop3A_387 = arith.index_cast %parallel_loop3A_366 : i32 to index
      %parallel_loop3A_388 = arith.constant 32 : index
      %parallel_loop3A_389 = tpu.vector_load %arg7[%parallel_loop3A_387, %parallel_loop3A_388] {strides = array<i32>} : memref<128x64xf32, #tpu.memory_space<vmem>>, vector<1x16xf32>,
      %parallel_loop3A_390 = vector.shape_cast %parallel_loop3A_389 : vector<1x16xf32> to vector<16xf32>
      %parallel_loop3A_391 = arith.mulf %parallel_loop3A_390, %parallel_loop3A_362 : vector<16xf32>
      %parallel_loop3A_392 = arith.index_cast %parallel_loop3A_366 : i32 to index
      %parallel_loop3A_393 = arith.constant 32 : index
      %parallel_loop3A_394 = tpu.vector_load %arg7[%parallel_loop3A_392, %parallel_loop3A_393] {strides = array<i32>} : memref<128x64xf32, #tpu.memory_space<vmem>>, vector<1x16xf32>,
      %parallel_loop3A_395 = vector.shape_cast %parallel_loop3A_394 : vector<1x16xf32> to vector<16xf32>
      %parallel_loop3A_396 = vector.shape_cast %parallel_loop3A_391 : vector<16xf32> to vector<1x16xf32>
      tpu.vector_store %arg7[%parallel_loop3A_392, %parallel_loop3A_393], %parallel_loop3A_396 {strides = array<i32>} : memref<128x64xf32, #tpu.memory_space<vmem>>, vector<1x16xf32>,
      %parallel_loop3A_397 = arith.index_cast %parallel_loop3A_366 : i32 to index
      %parallel_loop3A_398 = arith.constant 48 : index
      %parallel_loop3A_399 = tpu.vector_load %arg7[%parallel_loop3A_397, %parallel_loop3A_398] {strides = array<i32>} : memref<128x64xf32, #tpu.memory_space<vmem>>, vector<1x16xf32>,
      %parallel_loop3A_400 = vector.shape_cast %parallel_loop3A_399 : vector<1x16xf32> to vector<16xf32>
      %parallel_loop3A_401 = arith.mulf %parallel_loop3A_400, %parallel_loop3A_362 : vector<16xf32>
      %parallel_loop3A_402 = arith.index_cast %parallel_loop3A_366 : i32 to index
      %parallel_loop3A_403 = arith.constant 48 : index
      %parallel_loop3A_404 = tpu.vector_load %arg7[%parallel_loop3A_402, %parallel_loop3A_403] {strides = array<i32>} : memref<128x64xf32, #tpu.memory_space<vmem>>, vector<1x16xf32>,
      %parallel_loop3A_405 = vector.shape_cast %parallel_loop3A_404 : vector<1x16xf32> to vector<16xf32>
      %parallel_loop3A_406 = vector.shape_cast %parallel_loop3A_401 : vector<16xf32> to vector<1x16xf32>
      tpu.vector_store %arg7[%parallel_loop3A_402, %parallel_loop3A_403], %parallel_loop3A_406 {strides = array<i32>} : memref<128x64xf32, #tpu.memory_space<vmem>>, vector<1x16xf32>,
      %parallel_loop3A_407 = vector.extract_strided_slice %parallel_loop3A_77 {offsets = [7], sizes = [1], strides = [1]} : vector<16xf32> to vector<1xf32>
      %parallel_loop3A_408 = vector.extract %parallel_loop3A_407[0] : f32 from vector<1xf32>
      %parallel_loop3A_409 = vector.broadcast %parallel_loop3A_408 : f32 to vector<16xf32>
      %parallel_loop3A_410 = arith.constant 16 : i32
      %parallel_loop3A_411 = arith.muli %parallel_loop3A_68, %parallel_loop3A_410 : i32
      %parallel_loop3A_412 = arith.constant 7 : i32
      %parallel_loop3A_413 = arith.addi %parallel_loop3A_411, %parallel_loop3A_412 : i32
      %parallel_loop3A_414 = arith.index_cast %parallel_loop3A_413 : i32 to index
      %parallel_loop3A_415 = arith.constant 0 : index
      %parallel_loop3A_416 = tpu.vector_load %arg7[%parallel_loop3A_414, %parallel_loop3A_415] {strides = array<i32>} : memref<128x64xf32, #tpu.memory_space<vmem>>, vector<1x16xf32>,
      %parallel_loop3A_417 = vector.shape_cast %parallel_loop3A_416 : vector<1x16xf32> to vector<16xf32>
      %parallel_loop3A_418 = arith.mulf %parallel_loop3A_417, %parallel_loop3A_409 : vector<16xf32>
      %parallel_loop3A_419 = arith.index_cast %parallel_loop3A_413 : i32 to index
      %parallel_loop3A_420 = arith.constant 0 : index
      %parallel_loop3A_421 = tpu.vector_load %arg7[%parallel_loop3A_419, %parallel_loop3A_420] {strides = array<i32>} : memref<128x64xf32, #tpu.memory_space<vmem>>, vector<1x16xf32>,
      %parallel_loop3A_422 = vector.shape_cast %parallel_loop3A_421 : vector<1x16xf32> to vector<16xf32>
      %parallel_loop3A_423 = vector.shape_cast %parallel_loop3A_418 : vector<16xf32> to vector<1x16xf32>
      tpu.vector_store %arg7[%parallel_loop3A_419, %parallel_loop3A_420], %parallel_loop3A_423 {strides = array<i32>} : memref<128x64xf32, #tpu.memory_space<vmem>>, vector<1x16xf32>,
      %parallel_loop3A_424 = arith.index_cast %parallel_loop3A_413 : i32 to index
      %parallel_loop3A_425 = arith.constant 16 : index
      %parallel_loop3A_426 = tpu.vector_load %arg7[%parallel_loop3A_424, %parallel_loop3A_425] {strides = array<i32>} : memref<128x64xf32, #tpu.memory_space<vmem>>, vector<1x16xf32>,
      %parallel_loop3A_427 = vector.shape_cast %parallel_loop3A_426 : vector<1x16xf32> to vector<16xf32>
      %parallel_loop3A_428 = arith.mulf %parallel_loop3A_427, %parallel_loop3A_409 : vector<16xf32>
      %parallel_loop3A_429 = arith.index_cast %parallel_loop3A_413 : i32 to index
      %parallel_loop3A_430 = arith.constant 16 : index
      %parallel_loop3A_431 = tpu.vector_load %arg7[%parallel_loop3A_429, %parallel_loop3A_430] {strides = array<i32>} : memref<128x64xf32, #tpu.memory_space<vmem>>, vector<1x16xf32>,
      %parallel_loop3A_432 = vector.shape_cast %parallel_loop3A_431 : vector<1x16xf32> to vector<16xf32>
      %parallel_loop3A_433 = vector.shape_cast %parallel_loop3A_428 : vector<16xf32> to vector<1x16xf32>
      tpu.vector_store %arg7[%parallel_loop3A_429, %parallel_loop3A_430], %parallel_loop3A_433 {strides = array<i32>} : memref<128x64xf32, #tpu.memory_space<vmem>>, vector<1x16xf32>,
      %parallel_loop3A_434 = arith.index_cast %parallel_loop3A_413 : i32 to index
      %parallel_loop3A_435 = arith.constant 32 : index
      %parallel_loop3A_436 = tpu.vector_load %arg7[%parallel_loop3A_434, %parallel_loop3A_435] {strides = array<i32>} : memref<128x64xf32, #tpu.memory_space<vmem>>, vector<1x16xf32>,
      %parallel_loop3A_437 = vector.shape_cast %parallel_loop3A_436 : vector<1x16xf32> to vector<16xf32>
      %parallel_loop3A_438 = arith.mulf %parallel_loop3A_437, %parallel_loop3A_409 : vector<16xf32>
      %parallel_loop3A_439 = arith.index_cast %parallel_loop3A_413 : i32 to index
      %parallel_loop3A_440 = arith.constant 32 : index
      %parallel_loop3A_441 = tpu.vector_load %arg7[%parallel_loop3A_439, %parallel_loop3A_440] {strides = array<i32>} : memref<128x64xf32, #tpu.memory_space<vmem>>, vector<1x16xf32>,
      %parallel_loop3A_442 = vector.shape_cast %parallel_loop3A_441 : vector<1x16xf32> to vector<16xf32>
      %parallel_loop3A_443 = vector.shape_cast %parallel_loop3A_438 : vector<16xf32> to vector<1x16xf32>
      tpu.vector_store %arg7[%parallel_loop3A_439, %parallel_loop3A_440], %parallel_loop3A_443 {strides = array<i32>} : memref<128x64xf32, #tpu.memory_space<vmem>>, vector<1x16xf32>,
      %parallel_loop3A_444 = arith.index_cast %parallel_loop3A_413 : i32 to index
      %parallel_loop3A_445 = arith.constant 48 : index
      %parallel_loop3A_446 = tpu.vector_load %arg7[%parallel_loop3A_444, %parallel_loop3A_445] {strides = array<i32>} : memref<128x64xf32, #tpu.memory_space<vmem>>, vector<1x16xf32>,
      %parallel_loop3A_447 = vector.shape_cast %parallel_loop3A_446 : vector<1x16xf32> to vector<16xf32>
      %parallel_loop3A_448 = arith.mulf %parallel_loop3A_447, %parallel_loop3A_409 : vector<16xf32>
      %parallel_loop3A_449 = arith.index_cast %parallel_loop3A_413 : i32 to index
      %parallel_loop3A_450 = arith.constant 48 : index
      %parallel_loop3A_451 = tpu.vector_load %arg7[%parallel_loop3A_449, %parallel_loop3A_450] {strides = array<i32>} : memref<128x64xf32, #tpu.memory_space<vmem>>, vector<1x16xf32>,
      %parallel_loop3A_452 = vector.shape_cast %parallel_loop3A_451 : vector<1x16xf32> to vector<16xf32>
      %parallel_loop3A_453 = vector.shape_cast %parallel_loop3A_448 : vector<16xf32> to vector<1x16xf32>
      tpu.vector_store %arg7[%parallel_loop3A_449, %parallel_loop3A_450], %parallel_loop3A_453 {strides = array<i32>} : memref<128x64xf32, #tpu.memory_space<vmem>>, vector<1x16xf32>,
      %parallel_loop3A_454 = vector.extract_strided_slice %parallel_loop3A_77 {offsets = [8], sizes = [1], strides = [1]} : vector<16xf32> to vector<1xf32>
      %parallel_loop3A_455 = vector.extract %parallel_loop3A_454[0] : f32 from vector<1xf32>
      %parallel_loop3A_456 = vector.broadcast %parallel_loop3A_455 : f32 to vector<16xf32>
      %parallel_loop3A_457 = arith.constant 16 : i32
      %parallel_loop3A_458 = arith.muli %parallel_loop3A_68, %parallel_loop3A_457 : i32
      %parallel_loop3A_459 = arith.constant 8 : i32
      %parallel_loop3A_460 = arith.addi %parallel_loop3A_458, %parallel_loop3A_459 : i32
      %parallel_loop3A_461 = arith.index_cast %parallel_loop3A_460 : i32 to index
      %parallel_loop3A_462 = arith.constant 0 : index
      %parallel_loop3A_463 = tpu.vector_load %arg7[%parallel_loop3A_461, %parallel_loop3A_462] {strides = array<i32>} : memref<128x64xf32, #tpu.memory_space<vmem>>, vector<1x16xf32>,
      %parallel_loop3A_464 = vector.shape_cast %parallel_loop3A_463 : vector<1x16xf32> to vector<16xf32>
      %parallel_loop3A_465 = arith.mulf %parallel_loop3A_464, %parallel_loop3A_456 : vector<16xf32>
      %parallel_loop3A_466 = arith.index_cast %parallel_loop3A_460 : i32 to index
      %parallel_loop3A_467 = arith.constant 0 : index
      %parallel_loop3A_468 = tpu.vector_load %arg7[%parallel_loop3A_466, %parallel_loop3A_467] {strides = array<i32>} : memref<128x64xf32, #tpu.memory_space<vmem>>, vector<1x16xf32>,
      %parallel_loop3A_469 = vector.shape_cast %parallel_loop3A_468 : vector<1x16xf32> to vector<16xf32>
      %parallel_loop3A_470 = vector.shape_cast %parallel_loop3A_465 : vector<16xf32> to vector<1x16xf32>
      tpu.vector_store %arg7[%parallel_loop3A_466, %parallel_loop3A_467], %parallel_loop3A_470 {strides = array<i32>} : memref<128x64xf32, #tpu.memory_space<vmem>>, vector<1x16xf32>,
      %parallel_loop3A_471 = arith.index_cast %parallel_loop3A_460 : i32 to index
      %parallel_loop3A_472 = arith.constant 16 : index
      %parallel_loop3A_473 = tpu.vector_load %arg7[%parallel_loop3A_471, %parallel_loop3A_472] {strides = array<i32>} : memref<128x64xf32, #tpu.memory_space<vmem>>, vector<1x16xf32>,
      %parallel_loop3A_474 = vector.shape_cast %parallel_loop3A_473 : vector<1x16xf32> to vector<16xf32>
      %parallel_loop3A_475 = arith.mulf %parallel_loop3A_474, %parallel_loop3A_456 : vector<16xf32>
      %parallel_loop3A_476 = arith.index_cast %parallel_loop3A_460 : i32 to index
      %parallel_loop3A_477 = arith.constant 16 : index
      %parallel_loop3A_478 = tpu.vector_load %arg7[%parallel_loop3A_476, %parallel_loop3A_477] {strides = array<i32>} : memref<128x64xf32, #tpu.memory_space<vmem>>, vector<1x16xf32>,
      %parallel_loop3A_479 = vector.shape_cast %parallel_loop3A_478 : vector<1x16xf32> to vector<16xf32>
      %parallel_loop3A_480 = vector.shape_cast %parallel_loop3A_475 : vector<16xf32> to vector<1x16xf32>
      tpu.vector_store %arg7[%parallel_loop3A_476, %parallel_loop3A_477], %parallel_loop3A_480 {strides = array<i32>} : memref<128x64xf32, #tpu.memory_space<vmem>>, vector<1x16xf32>,
      %parallel_loop3A_481 = arith.index_cast %parallel_loop3A_460 : i32 to index
      %parallel_loop3A_482 = arith.constant 32 : index
      %parallel_loop3A_483 = tpu.vector_load %arg7[%parallel_loop3A_481, %parallel_loop3A_482] {strides = array<i32>} : memref<128x64xf32, #tpu.memory_space<vmem>>, vector<1x16xf32>,
      %parallel_loop3A_484 = vector.shape_cast %parallel_loop3A_483 : vector<1x16xf32> to vector<16xf32>
      %parallel_loop3A_485 = arith.mulf %parallel_loop3A_484, %parallel_loop3A_456 : vector<16xf32>
      %parallel_loop3A_486 = arith.index_cast %parallel_loop3A_460 : i32 to index
      %parallel_loop3A_487 = arith.constant 32 : index
      %parallel_loop3A_488 = tpu.vector_load %arg7[%parallel_loop3A_486, %parallel_loop3A_487] {strides = array<i32>} : memref<128x64xf32, #tpu.memory_space<vmem>>, vector<1x16xf32>,
      %parallel_loop3A_489 = vector.shape_cast %parallel_loop3A_488 : vector<1x16xf32> to vector<16xf32>
      %parallel_loop3A_490 = vector.shape_cast %parallel_loop3A_485 : vector<16xf32> to vector<1x16xf32>
      tpu.vector_store %arg7[%parallel_loop3A_486, %parallel_loop3A_487], %parallel_loop3A_490 {strides = array<i32>} : memref<128x64xf32, #tpu.memory_space<vmem>>, vector<1x16xf32>,
      %parallel_loop3A_491 = arith.index_cast %parallel_loop3A_460 : i32 to index
      %parallel_loop3A_492 = arith.constant 48 : index
      %parallel_loop3A_493 = tpu.vector_load %arg7[%parallel_loop3A_491, %parallel_loop3A_492] {strides = array<i32>} : memref<128x64xf32, #tpu.memory_space<vmem>>, vector<1x16xf32>,
      %parallel_loop3A_494 = vector.shape_cast %parallel_loop3A_493 : vector<1x16xf32> to vector<16xf32>
      %parallel_loop3A_495 = arith.mulf %parallel_loop3A_494, %parallel_loop3A_456 : vector<16xf32>
      %parallel_loop3A_496 = arith.index_cast %parallel_loop3A_460 : i32 to index
      %parallel_loop3A_497 = arith.constant 48 : index
      %parallel_loop3A_498 = tpu.vector_load %arg7[%parallel_loop3A_496, %parallel_loop3A_497] {strides = array<i32>} : memref<128x64xf32, #tpu.memory_space<vmem>>, vector<1x16xf32>,
      %parallel_loop3A_499 = vector.shape_cast %parallel_loop3A_498 : vector<1x16xf32> to vector<16xf32>
      %parallel_loop3A_500 = vector.shape_cast %parallel_loop3A_495 : vector<16xf32> to vector<1x16xf32>
      tpu.vector_store %arg7[%parallel_loop3A_496, %parallel_loop3A_497], %parallel_loop3A_500 {strides = array<i32>} : memref<128x64xf32, #tpu.memory_space<vmem>>, vector<1x16xf32>,
      %parallel_loop3A_501 = vector.extract_strided_slice %parallel_loop3A_77 {offsets = [9], sizes = [1], strides = [1]} : vector<16xf32> to vector<1xf32>
      %parallel_loop3A_502 = vector.extract %parallel_loop3A_501[0] : f32 from vector<1xf32>
      %parallel_loop3A_503 = vector.broadcast %parallel_loop3A_502 : f32 to vector<16xf32>
      %parallel_loop3A_504 = arith.constant 16 : i32
      %parallel_loop3A_505 = arith.muli %parallel_loop3A_68, %parallel_loop3A_504 : i32
      %parallel_loop3A_506 = arith.constant 9 : i32
      %parallel_loop3A_507 = arith.addi %parallel_loop3A_505, %parallel_loop3A_506 : i32
      %parallel_loop3A_508 = arith.index_cast %parallel_loop3A_507 : i32 to index
      %parallel_loop3A_509 = arith.constant 0 : index
      %parallel_loop3A_510 = tpu.vector_load %arg7[%parallel_loop3A_508, %parallel_loop3A_509] {strides = array<i32>} : memref<128x64xf32, #tpu.memory_space<vmem>>, vector<1x16xf32>,
      %parallel_loop3A_511 = vector.shape_cast %parallel_loop3A_510 : vector<1x16xf32> to vector<16xf32>
      %parallel_loop3A_512 = arith.mulf %parallel_loop3A_511, %parallel_loop3A_503 : vector<16xf32>
      %parallel_loop3A_513 = arith.index_cast %parallel_loop3A_507 : i32 to index
      %parallel_loop3A_514 = arith.constant 0 : index
      %parallel_loop3A_515 = tpu.vector_load %arg7[%parallel_loop3A_513, %parallel_loop3A_514] {strides = array<i32>} : memref<128x64xf32, #tpu.memory_space<vmem>>, vector<1x16xf32>,
      %parallel_loop3A_516 = vector.shape_cast %parallel_loop3A_515 : vector<1x16xf32> to vector<16xf32>
      %parallel_loop3A_517 = vector.shape_cast %parallel_loop3A_512 : vector<16xf32> to vector<1x16xf32>
      tpu.vector_store %arg7[%parallel_loop3A_513, %parallel_loop3A_514], %parallel_loop3A_517 {strides = array<i32>} : memref<128x64xf32, #tpu.memory_space<vmem>>, vector<1x16xf32>,
      %parallel_loop3A_518 = arith.index_cast %parallel_loop3A_507 : i32 to index
      %parallel_loop3A_519 = arith.constant 16 : index
      %parallel_loop3A_520 = tpu.vector_load %arg7[%parallel_loop3A_518, %parallel_loop3A_519] {strides = array<i32>} : memref<128x64xf32, #tpu.memory_space<vmem>>, vector<1x16xf32>,
      %parallel_loop3A_521 = vector.shape_cast %parallel_loop3A_520 : vector<1x16xf32> to vector<16xf32>
      %parallel_loop3A_522 = arith.mulf %parallel_loop3A_521, %parallel_loop3A_503 : vector<16xf32>
      %parallel_loop3A_523 = arith.index_cast %parallel_loop3A_507 : i32 to index
      %parallel_loop3A_524 = arith.constant 16 : index
      %parallel_loop3A_525 = tpu.vector_load %arg7[%parallel_loop3A_523, %parallel_loop3A_524] {strides = array<i32>} : memref<128x64xf32, #tpu.memory_space<vmem>>, vector<1x16xf32>,
      %parallel_loop3A_526 = vector.shape_cast %parallel_loop3A_525 : vector<1x16xf32> to vector<16xf32>
      %parallel_loop3A_527 = vector.shape_cast %parallel_loop3A_522 : vector<16xf32> to vector<1x16xf32>
      tpu.vector_store %arg7[%parallel_loop3A_523, %parallel_loop3A_524], %parallel_loop3A_527 {strides = array<i32>} : memref<128x64xf32, #tpu.memory_space<vmem>>, vector<1x16xf32>,
      %parallel_loop3A_528 = arith.index_cast %parallel_loop3A_507 : i32 to index
      %parallel_loop3A_529 = arith.constant 32 : index
      %parallel_loop3A_530 = tpu.vector_load %arg7[%parallel_loop3A_528, %parallel_loop3A_529] {strides = array<i32>} : memref<128x64xf32, #tpu.memory_space<vmem>>, vector<1x16xf32>,
      %parallel_loop3A_531 = vector.shape_cast %parallel_loop3A_530 : vector<1x16xf32> to vector<16xf32>
      %parallel_loop3A_532 = arith.mulf %parallel_loop3A_531, %parallel_loop3A_503 : vector<16xf32>
      %parallel_loop3A_533 = arith.index_cast %parallel_loop3A_507 : i32 to index
      %parallel_loop3A_534 = arith.constant 32 : index
      %parallel_loop3A_535 = tpu.vector_load %arg7[%parallel_loop3A_533, %parallel_loop3A_534] {strides = array<i32>} : memref<128x64xf32, #tpu.memory_space<vmem>>, vector<1x16xf32>,
      %parallel_loop3A_536 = vector.shape_cast %parallel_loop3A_535 : vector<1x16xf32> to vector<16xf32>
      %parallel_loop3A_537 = vector.shape_cast %parallel_loop3A_532 : vector<16xf32> to vector<1x16xf32>
      tpu.vector_store %arg7[%parallel_loop3A_533, %parallel_loop3A_534], %parallel_loop3A_537 {strides = array<i32>} : memref<128x64xf32, #tpu.memory_space<vmem>>, vector<1x16xf32>,
      %parallel_loop3A_538 = arith.index_cast %parallel_loop3A_507 : i32 to index
      %parallel_loop3A_539 = arith.constant 48 : index
      %parallel_loop3A_540 = tpu.vector_load %arg7[%parallel_loop3A_538, %parallel_loop3A_539] {strides = array<i32>} : memref<128x64xf32, #tpu.memory_space<vmem>>, vector<1x16xf32>,
      %parallel_loop3A_541 = vector.shape_cast %parallel_loop3A_540 : vector<1x16xf32> to vector<16xf32>
      %parallel_loop3A_542 = arith.mulf %parallel_loop3A_541, %parallel_loop3A_503 : vector<16xf32>
      %parallel_loop3A_543 = arith.index_cast %parallel_loop3A_507 : i32 to index
      %parallel_loop3A_544 = arith.constant 48 : index
      %parallel_loop3A_545 = tpu.vector_load %arg7[%parallel_loop3A_543, %parallel_loop3A_544] {strides = array<i32>} : memref<128x64xf32, #tpu.memory_space<vmem>>, vector<1x16xf32>,
      %parallel_loop3A_546 = vector.shape_cast %parallel_loop3A_545 : vector<1x16xf32> to vector<16xf32>
      %parallel_loop3A_547 = vector.shape_cast %parallel_loop3A_542 : vector<16xf32> to vector<1x16xf32>
      tpu.vector_store %arg7[%parallel_loop3A_543, %parallel_loop3A_544], %parallel_loop3A_547 {strides = array<i32>} : memref<128x64xf32, #tpu.memory_space<vmem>>, vector<1x16xf32>,
      %parallel_loop3A_548 = vector.extract_strided_slice %parallel_loop3A_77 {offsets = [10], sizes = [1], strides = [1]} : vector<16xf32> to vector<1xf32>
      %parallel_loop3A_549 = vector.extract %parallel_loop3A_548[0] : f32 from vector<1xf32>
      %parallel_loop3A_550 = vector.broadcast %parallel_loop3A_549 : f32 to vector<16xf32>
      %parallel_loop3A_551 = arith.constant 16 : i32
      %parallel_loop3A_552 = arith.muli %parallel_loop3A_68, %parallel_loop3A_551 : i32
      %parallel_loop3A_553 = arith.constant 10 : i32
      %parallel_loop3A_554 = arith.addi %parallel_loop3A_552, %parallel_loop3A_553 : i32
      %parallel_loop3A_555 = arith.index_cast %parallel_loop3A_554 : i32 to index
      %parallel_loop3A_556 = arith.constant 0 : index
      %parallel_loop3A_557 = tpu.vector_load %arg7[%parallel_loop3A_555, %parallel_loop3A_556] {strides = array<i32>} : memref<128x64xf32, #tpu.memory_space<vmem>>, vector<1x16xf32>,
      %parallel_loop3A_558 = vector.shape_cast %parallel_loop3A_557 : vector<1x16xf32> to vector<16xf32>
      %parallel_loop3A_559 = arith.mulf %parallel_loop3A_558, %parallel_loop3A_550 : vector<16xf32>
      %parallel_loop3A_560 = arith.index_cast %parallel_loop3A_554 : i32 to index
      %parallel_loop3A_561 = arith.constant 0 : index
      %parallel_loop3A_562 = tpu.vector_load %arg7[%parallel_loop3A_560, %parallel_loop3A_561] {strides = array<i32>} : memref<128x64xf32, #tpu.memory_space<vmem>>, vector<1x16xf32>,
      %parallel_loop3A_563 = vector.shape_cast %parallel_loop3A_562 : vector<1x16xf32> to vector<16xf32>
      %parallel_loop3A_564 = vector.shape_cast %parallel_loop3A_559 : vector<16xf32> to vector<1x16xf32>
      tpu.vector_store %arg7[%parallel_loop3A_560, %parallel_loop3A_561], %parallel_loop3A_564 {strides = array<i32>} : memref<128x64xf32, #tpu.memory_space<vmem>>, vector<1x16xf32>,
      %parallel_loop3A_565 = arith.index_cast %parallel_loop3A_554 : i32 to index
      %parallel_loop3A_566 = arith.constant 16 : index
      %parallel_loop3A_567 = tpu.vector_load %arg7[%parallel_loop3A_565, %parallel_loop3A_566] {strides = array<i32>} : memref<128x64xf32, #tpu.memory_space<vmem>>, vector<1x16xf32>,
      %parallel_loop3A_568 = vector.shape_cast %parallel_loop3A_567 : vector<1x16xf32> to vector<16xf32>
      %parallel_loop3A_569 = arith.mulf %parallel_loop3A_568, %parallel_loop3A_550 : vector<16xf32>
      %parallel_loop3A_570 = arith.index_cast %parallel_loop3A_554 : i32 to index
      %parallel_loop3A_571 = arith.constant 16 : index
      %parallel_loop3A_572 = tpu.vector_load %arg7[%parallel_loop3A_570, %parallel_loop3A_571] {strides = array<i32>} : memref<128x64xf32, #tpu.memory_space<vmem>>, vector<1x16xf32>,
      %parallel_loop3A_573 = vector.shape_cast %parallel_loop3A_572 : vector<1x16xf32> to vector<16xf32>
      %parallel_loop3A_574 = vector.shape_cast %parallel_loop3A_569 : vector<16xf32> to vector<1x16xf32>
      tpu.vector_store %arg7[%parallel_loop3A_570, %parallel_loop3A_571], %parallel_loop3A_574 {strides = array<i32>} : memref<128x64xf32, #tpu.memory_space<vmem>>, vector<1x16xf32>,
      %parallel_loop3A_575 = arith.index_cast %parallel_loop3A_554 : i32 to index
      %parallel_loop3A_576 = arith.constant 32 : index
      %parallel_loop3A_577 = tpu.vector_load %arg7[%parallel_loop3A_575, %parallel_loop3A_576] {strides = array<i32>} : memref<128x64xf32, #tpu.memory_space<vmem>>, vector<1x16xf32>,
      %parallel_loop3A_578 = vector.shape_cast %parallel_loop3A_577 : vector<1x16xf32> to vector<16xf32>
      %parallel_loop3A_579 = arith.mulf %parallel_loop3A_578, %parallel_loop3A_550 : vector<16xf32>
      %parallel_loop3A_580 = arith.index_cast %parallel_loop3A_554 : i32 to index
      %parallel_loop3A_581 = arith.constant 32 : index
      %parallel_loop3A_582 = tpu.vector_load %arg7[%parallel_loop3A_580, %parallel_loop3A_581] {strides = array<i32>} : memref<128x64xf32, #tpu.memory_space<vmem>>, vector<1x16xf32>,
      %parallel_loop3A_583 = vector.shape_cast %parallel_loop3A_582 : vector<1x16xf32> to vector<16xf32>
      %parallel_loop3A_584 = vector.shape_cast %parallel_loop3A_579 : vector<16xf32> to vector<1x16xf32>
      tpu.vector_store %arg7[%parallel_loop3A_580, %parallel_loop3A_581], %parallel_loop3A_584 {strides = array<i32>} : memref<128x64xf32, #tpu.memory_space<vmem>>, vector<1x16xf32>,
      %parallel_loop3A_585 = arith.index_cast %parallel_loop3A_554 : i32 to index
      %parallel_loop3A_586 = arith.constant 48 : index
      %parallel_loop3A_587 = tpu.vector_load %arg7[%parallel_loop3A_585, %parallel_loop3A_586] {strides = array<i32>} : memref<128x64xf32, #tpu.memory_space<vmem>>, vector<1x16xf32>,
      %parallel_loop3A_588 = vector.shape_cast %parallel_loop3A_587 : vector<1x16xf32> to vector<16xf32>
      %parallel_loop3A_589 = arith.mulf %parallel_loop3A_588, %parallel_loop3A_550 : vector<16xf32>
      %parallel_loop3A_590 = arith.index_cast %parallel_loop3A_554 : i32 to index
      %parallel_loop3A_591 = arith.constant 48 : index
      %parallel_loop3A_592 = tpu.vector_load %arg7[%parallel_loop3A_590, %parallel_loop3A_591] {strides = array<i32>} : memref<128x64xf32, #tpu.memory_space<vmem>>, vector<1x16xf32>,
      %parallel_loop3A_593 = vector.shape_cast %parallel_loop3A_592 : vector<1x16xf32> to vector<16xf32>
      %parallel_loop3A_594 = vector.shape_cast %parallel_loop3A_589 : vector<16xf32> to vector<1x16xf32>
      tpu.vector_store %arg7[%parallel_loop3A_590, %parallel_loop3A_591], %parallel_loop3A_594 {strides = array<i32>} : memref<128x64xf32, #tpu.memory_space<vmem>>, vector<1x16xf32>,
      %parallel_loop3A_595 = vector.extract_strided_slice %parallel_loop3A_77 {offsets = [11], sizes = [1], strides = [1]} : vector<16xf32> to vector<1xf32>
      %parallel_loop3A_596 = vector.extract %parallel_loop3A_595[0] : f32 from vector<1xf32>
      %parallel_loop3A_597 = vector.broadcast %parallel_loop3A_596 : f32 to vector<16xf32>
      %parallel_loop3A_598 = arith.constant 16 : i32
      %parallel_loop3A_599 = arith.muli %parallel_loop3A_68, %parallel_loop3A_598 : i32
      %parallel_loop3A_600 = arith.constant 11 : i32
      %parallel_loop3A_601 = arith.addi %parallel_loop3A_599, %parallel_loop3A_600 : i32
      %parallel_loop3A_602 = arith.index_cast %parallel_loop3A_601 : i32 to index
      %parallel_loop3A_603 = arith.constant 0 : index
      %parallel_loop3A_604 = tpu.vector_load %arg7[%parallel_loop3A_602, %parallel_loop3A_603] {strides = array<i32>} : memref<128x64xf32, #tpu.memory_space<vmem>>, vector<1x16xf32>,
      %parallel_loop3A_605 = vector.shape_cast %parallel_loop3A_604 : vector<1x16xf32> to vector<16xf32>
      %parallel_loop3A_606 = arith.mulf %parallel_loop3A_605, %parallel_loop3A_597 : vector<16xf32>
      %parallel_loop3A_607 = arith.index_cast %parallel_loop3A_601 : i32 to index
      %parallel_loop3A_608 = arith.constant 0 : index
      %parallel_loop3A_609 = tpu.vector_load %arg7[%parallel_loop3A_607, %parallel_loop3A_608] {strides = array<i32>} : memref<128x64xf32, #tpu.memory_space<vmem>>, vector<1x16xf32>,
      %parallel_loop3A_610 = vector.shape_cast %parallel_loop3A_609 : vector<1x16xf32> to vector<16xf32>
      %parallel_loop3A_611 = vector.shape_cast %parallel_loop3A_606 : vector<16xf32> to vector<1x16xf32>
      tpu.vector_store %arg7[%parallel_loop3A_607, %parallel_loop3A_608], %parallel_loop3A_611 {strides = array<i32>} : memref<128x64xf32, #tpu.memory_space<vmem>>, vector<1x16xf32>,
      %parallel_loop3A_612 = arith.index_cast %parallel_loop3A_601 : i32 to index
      %parallel_loop3A_613 = arith.constant 16 : index
      %parallel_loop3A_614 = tpu.vector_load %arg7[%parallel_loop3A_612, %parallel_loop3A_613] {strides = array<i32>} : memref<128x64xf32, #tpu.memory_space<vmem>>, vector<1x16xf32>,
      %parallel_loop3A_615 = vector.shape_cast %parallel_loop3A_614 : vector<1x16xf32> to vector<16xf32>
      %parallel_loop3A_616 = arith.mulf %parallel_loop3A_615, %parallel_loop3A_597 : vector<16xf32>
      %parallel_loop3A_617 = arith.index_cast %parallel_loop3A_601 : i32 to index
      %parallel_loop3A_618 = arith.constant 16 : index
      %parallel_loop3A_619 = tpu.vector_load %arg7[%parallel_loop3A_617, %parallel_loop3A_618] {strides = array<i32>} : memref<128x64xf32, #tpu.memory_space<vmem>>, vector<1x16xf32>,
      %parallel_loop3A_620 = vector.shape_cast %parallel_loop3A_619 : vector<1x16xf32> to vector<16xf32>
      %parallel_loop3A_621 = vector.shape_cast %parallel_loop3A_616 : vector<16xf32> to vector<1x16xf32>
      tpu.vector_store %arg7[%parallel_loop3A_617, %parallel_loop3A_618], %parallel_loop3A_621 {strides = array<i32>} : memref<128x64xf32, #tpu.memory_space<vmem>>, vector<1x16xf32>,
      %parallel_loop3A_622 = arith.index_cast %parallel_loop3A_601 : i32 to index
      %parallel_loop3A_623 = arith.constant 32 : index
      %parallel_loop3A_624 = tpu.vector_load %arg7[%parallel_loop3A_622, %parallel_loop3A_623] {strides = array<i32>} : memref<128x64xf32, #tpu.memory_space<vmem>>, vector<1x16xf32>,
      %parallel_loop3A_625 = vector.shape_cast %parallel_loop3A_624 : vector<1x16xf32> to vector<16xf32>
      %parallel_loop3A_626 = arith.mulf %parallel_loop3A_625, %parallel_loop3A_597 : vector<16xf32>
      %parallel_loop3A_627 = arith.index_cast %parallel_loop3A_601 : i32 to index
      %parallel_loop3A_628 = arith.constant 32 : index
      %parallel_loop3A_629 = tpu.vector_load %arg7[%parallel_loop3A_627, %parallel_loop3A_628] {strides = array<i32>} : memref<128x64xf32, #tpu.memory_space<vmem>>, vector<1x16xf32>,
      %parallel_loop3A_630 = vector.shape_cast %parallel_loop3A_629 : vector<1x16xf32> to vector<16xf32>
      %parallel_loop3A_631 = vector.shape_cast %parallel_loop3A_626 : vector<16xf32> to vector<1x16xf32>
      tpu.vector_store %arg7[%parallel_loop3A_627, %parallel_loop3A_628], %parallel_loop3A_631 {strides = array<i32>} : memref<128x64xf32, #tpu.memory_space<vmem>>, vector<1x16xf32>,
      %parallel_loop3A_632 = arith.index_cast %parallel_loop3A_601 : i32 to index
      %parallel_loop3A_633 = arith.constant 48 : index
      %parallel_loop3A_634 = tpu.vector_load %arg7[%parallel_loop3A_632, %parallel_loop3A_633] {strides = array<i32>} : memref<128x64xf32, #tpu.memory_space<vmem>>, vector<1x16xf32>,
      %parallel_loop3A_635 = vector.shape_cast %parallel_loop3A_634 : vector<1x16xf32> to vector<16xf32>
      %parallel_loop3A_636 = arith.mulf %parallel_loop3A_635, %parallel_loop3A_597 : vector<16xf32>
      %parallel_loop3A_637 = arith.index_cast %parallel_loop3A_601 : i32 to index
      %parallel_loop3A_638 = arith.constant 48 : index
      %parallel_loop3A_639 = tpu.vector_load %arg7[%parallel_loop3A_637, %parallel_loop3A_638] {strides = array<i32>} : memref<128x64xf32, #tpu.memory_space<vmem>>, vector<1x16xf32>,
      %parallel_loop3A_640 = vector.shape_cast %parallel_loop3A_639 : vector<1x16xf32> to vector<16xf32>
      %parallel_loop3A_641 = vector.shape_cast %parallel_loop3A_636 : vector<16xf32> to vector<1x16xf32>
      tpu.vector_store %arg7[%parallel_loop3A_637, %parallel_loop3A_638], %parallel_loop3A_641 {strides = array<i32>} : memref<128x64xf32, #tpu.memory_space<vmem>>, vector<1x16xf32>,
      %parallel_loop3A_642 = vector.extract_strided_slice %parallel_loop3A_77 {offsets = [12], sizes = [1], strides = [1]} : vector<16xf32> to vector<1xf32>
      %parallel_loop3A_643 = vector.extract %parallel_loop3A_642[0] : f32 from vector<1xf32>
      %parallel_loop3A_644 = vector.broadcast %parallel_loop3A_643 : f32 to vector<16xf32>
      %parallel_loop3A_645 = arith.constant 16 : i32
      %parallel_loop3A_646 = arith.muli %parallel_loop3A_68, %parallel_loop3A_645 : i32
      %parallel_loop3A_647 = arith.constant 12 : i32
      %parallel_loop3A_648 = arith.addi %parallel_loop3A_646, %parallel_loop3A_647 : i32
      %parallel_loop3A_649 = arith.index_cast %parallel_loop3A_648 : i32 to index
      %parallel_loop3A_650 = arith.constant 0 : index
      %parallel_loop3A_651 = tpu.vector_load %arg7[%parallel_loop3A_649, %parallel_loop3A_650] {strides = array<i32>} : memref<128x64xf32, #tpu.memory_space<vmem>>, vector<1x16xf32>,
      %parallel_loop3A_652 = vector.shape_cast %parallel_loop3A_651 : vector<1x16xf32> to vector<16xf32>
      %parallel_loop3A_653 = arith.mulf %parallel_loop3A_652, %parallel_loop3A_644 : vector<16xf32>
      %parallel_loop3A_654 = arith.index_cast %parallel_loop3A_648 : i32 to index
      %parallel_loop3A_655 = arith.constant 0 : index
      %parallel_loop3A_656 = tpu.vector_load %arg7[%parallel_loop3A_654, %parallel_loop3A_655] {strides = array<i32>} : memref<128x64xf32, #tpu.memory_space<vmem>>, vector<1x16xf32>,
      %parallel_loop3A_657 = vector.shape_cast %parallel_loop3A_656 : vector<1x16xf32> to vector<16xf32>
      %parallel_loop3A_658 = vector.shape_cast %parallel_loop3A_653 : vector<16xf32> to vector<1x16xf32>
      tpu.vector_store %arg7[%parallel_loop3A_654, %parallel_loop3A_655], %parallel_loop3A_658 {strides = array<i32>} : memref<128x64xf32, #tpu.memory_space<vmem>>, vector<1x16xf32>,
      %parallel_loop3A_659 = arith.index_cast %parallel_loop3A_648 : i32 to index
      %parallel_loop3A_660 = arith.constant 16 : index
      %parallel_loop3A_661 = tpu.vector_load %arg7[%parallel_loop3A_659, %parallel_loop3A_660] {strides = array<i32>} : memref<128x64xf32, #tpu.memory_space<vmem>>, vector<1x16xf32>,
      %parallel_loop3A_662 = vector.shape_cast %parallel_loop3A_661 : vector<1x16xf32> to vector<16xf32>
      %parallel_loop3A_663 = arith.mulf %parallel_loop3A_662, %parallel_loop3A_644 : vector<16xf32>
      %parallel_loop3A_664 = arith.index_cast %parallel_loop3A_648 : i32 to index
      %parallel_loop3A_665 = arith.constant 16 : index
      %parallel_loop3A_666 = tpu.vector_load %arg7[%parallel_loop3A_664, %parallel_loop3A_665] {strides = array<i32>} : memref<128x64xf32, #tpu.memory_space<vmem>>, vector<1x16xf32>,
      %parallel_loop3A_667 = vector.shape_cast %parallel_loop3A_666 : vector<1x16xf32> to vector<16xf32>
      %parallel_loop3A_668 = vector.shape_cast %parallel_loop3A_663 : vector<16xf32> to vector<1x16xf32>
      tpu.vector_store %arg7[%parallel_loop3A_664, %parallel_loop3A_665], %parallel_loop3A_668 {strides = array<i32>} : memref<128x64xf32, #tpu.memory_space<vmem>>, vector<1x16xf32>,
      %parallel_loop3A_669 = arith.index_cast %parallel_loop3A_648 : i32 to index
      %parallel_loop3A_670 = arith.constant 32 : index
      %parallel_loop3A_671 = tpu.vector_load %arg7[%parallel_loop3A_669, %parallel_loop3A_670] {strides = array<i32>} : memref<128x64xf32, #tpu.memory_space<vmem>>, vector<1x16xf32>,
      %parallel_loop3A_672 = vector.shape_cast %parallel_loop3A_671 : vector<1x16xf32> to vector<16xf32>
      %parallel_loop3A_673 = arith.mulf %parallel_loop3A_672, %parallel_loop3A_644 : vector<16xf32>
      %parallel_loop3A_674 = arith.index_cast %parallel_loop3A_648 : i32 to index
      %parallel_loop3A_675 = arith.constant 32 : index
      %parallel_loop3A_676 = tpu.vector_load %arg7[%parallel_loop3A_674, %parallel_loop3A_675] {strides = array<i32>} : memref<128x64xf32, #tpu.memory_space<vmem>>, vector<1x16xf32>,
      %parallel_loop3A_677 = vector.shape_cast %parallel_loop3A_676 : vector<1x16xf32> to vector<16xf32>
      %parallel_loop3A_678 = vector.shape_cast %parallel_loop3A_673 : vector<16xf32> to vector<1x16xf32>
      tpu.vector_store %arg7[%parallel_loop3A_674, %parallel_loop3A_675], %parallel_loop3A_678 {strides = array<i32>} : memref<128x64xf32, #tpu.memory_space<vmem>>, vector<1x16xf32>,
      %parallel_loop3A_679 = arith.index_cast %parallel_loop3A_648 : i32 to index
      %parallel_loop3A_680 = arith.constant 48 : index
      %parallel_loop3A_681 = tpu.vector_load %arg7[%parallel_loop3A_679, %parallel_loop3A_680] {strides = array<i32>} : memref<128x64xf32, #tpu.memory_space<vmem>>, vector<1x16xf32>,
      %parallel_loop3A_682 = vector.shape_cast %parallel_loop3A_681 : vector<1x16xf32> to vector<16xf32>
      %parallel_loop3A_683 = arith.mulf %parallel_loop3A_682, %parallel_loop3A_644 : vector<16xf32>
      %parallel_loop3A_684 = arith.index_cast %parallel_loop3A_648 : i32 to index
      %parallel_loop3A_685 = arith.constant 48 : index
      %parallel_loop3A_686 = tpu.vector_load %arg7[%parallel_loop3A_684, %parallel_loop3A_685] {strides = array<i32>} : memref<128x64xf32, #tpu.memory_space<vmem>>, vector<1x16xf32>,
      %parallel_loop3A_687 = vector.shape_cast %parallel_loop3A_686 : vector<1x16xf32> to vector<16xf32>
      %parallel_loop3A_688 = vector.shape_cast %parallel_loop3A_683 : vector<16xf32> to vector<1x16xf32>
      tpu.vector_store %arg7[%parallel_loop3A_684, %parallel_loop3A_685], %parallel_loop3A_688 {strides = array<i32>} : memref<128x64xf32, #tpu.memory_space<vmem>>, vector<1x16xf32>,
      %parallel_loop3A_689 = vector.extract_strided_slice %parallel_loop3A_77 {offsets = [13], sizes = [1], strides = [1]} : vector<16xf32> to vector<1xf32>
      %parallel_loop3A_690 = vector.extract %parallel_loop3A_689[0] : f32 from vector<1xf32>
      %parallel_loop3A_691 = vector.broadcast %parallel_loop3A_690 : f32 to vector<16xf32>
      %parallel_loop3A_692 = arith.constant 16 : i32
      %parallel_loop3A_693 = arith.muli %parallel_loop3A_68, %parallel_loop3A_692 : i32
      %parallel_loop3A_694 = arith.constant 13 : i32
      %parallel_loop3A_695 = arith.addi %parallel_loop3A_693, %parallel_loop3A_694 : i32
      %parallel_loop3A_696 = arith.index_cast %parallel_loop3A_695 : i32 to index
      %parallel_loop3A_697 = arith.constant 0 : index
      %parallel_loop3A_698 = tpu.vector_load %arg7[%parallel_loop3A_696, %parallel_loop3A_697] {strides = array<i32>} : memref<128x64xf32, #tpu.memory_space<vmem>>, vector<1x16xf32>,
      %parallel_loop3A_699 = vector.shape_cast %parallel_loop3A_698 : vector<1x16xf32> to vector<16xf32>
      %parallel_loop3A_700 = arith.mulf %parallel_loop3A_699, %parallel_loop3A_691 : vector<16xf32>
      %parallel_loop3A_701 = arith.index_cast %parallel_loop3A_695 : i32 to index
      %parallel_loop3A_702 = arith.constant 0 : index
      %parallel_loop3A_703 = tpu.vector_load %arg7[%parallel_loop3A_701, %parallel_loop3A_702] {strides = array<i32>} : memref<128x64xf32, #tpu.memory_space<vmem>>, vector<1x16xf32>,
      %parallel_loop3A_704 = vector.shape_cast %parallel_loop3A_703 : vector<1x16xf32> to vector<16xf32>
      %parallel_loop3A_705 = vector.shape_cast %parallel_loop3A_700 : vector<16xf32> to vector<1x16xf32>
      tpu.vector_store %arg7[%parallel_loop3A_701, %parallel_loop3A_702], %parallel_loop3A_705 {strides = array<i32>} : memref<128x64xf32, #tpu.memory_space<vmem>>, vector<1x16xf32>,
      %parallel_loop3A_706 = arith.index_cast %parallel_loop3A_695 : i32 to index
      %parallel_loop3A_707 = arith.constant 16 : index
      %parallel_loop3A_708 = tpu.vector_load %arg7[%parallel_loop3A_706, %parallel_loop3A_707] {strides = array<i32>} : memref<128x64xf32, #tpu.memory_space<vmem>>, vector<1x16xf32>,
      %parallel_loop3A_709 = vector.shape_cast %parallel_loop3A_708 : vector<1x16xf32> to vector<16xf32>
      %parallel_loop3A_710 = arith.mulf %parallel_loop3A_709, %parallel_loop3A_691 : vector<16xf32>
      %parallel_loop3A_711 = arith.index_cast %parallel_loop3A_695 : i32 to index
      %parallel_loop3A_712 = arith.constant 16 : index
      %parallel_loop3A_713 = tpu.vector_load %arg7[%parallel_loop3A_711, %parallel_loop3A_712] {strides = array<i32>} : memref<128x64xf32, #tpu.memory_space<vmem>>, vector<1x16xf32>,
      %parallel_loop3A_714 = vector.shape_cast %parallel_loop3A_713 : vector<1x16xf32> to vector<16xf32>
      %parallel_loop3A_715 = vector.shape_cast %parallel_loop3A_710 : vector<16xf32> to vector<1x16xf32>
      tpu.vector_store %arg7[%parallel_loop3A_711, %parallel_loop3A_712], %parallel_loop3A_715 {strides = array<i32>} : memref<128x64xf32, #tpu.memory_space<vmem>>, vector<1x16xf32>,
      %parallel_loop3A_716 = arith.index_cast %parallel_loop3A_695 : i32 to index
      %parallel_loop3A_717 = arith.constant 32 : index
      %parallel_loop3A_718 = tpu.vector_load %arg7[%parallel_loop3A_716, %parallel_loop3A_717] {strides = array<i32>} : memref<128x64xf32, #tpu.memory_space<vmem>>, vector<1x16xf32>,
      %parallel_loop3A_719 = vector.shape_cast %parallel_loop3A_718 : vector<1x16xf32> to vector<16xf32>
      %parallel_loop3A_720 = arith.mulf %parallel_loop3A_719, %parallel_loop3A_691 : vector<16xf32>
      %parallel_loop3A_721 = arith.index_cast %parallel_loop3A_695 : i32 to index
      %parallel_loop3A_722 = arith.constant 32 : index
      %parallel_loop3A_723 = tpu.vector_load %arg7[%parallel_loop3A_721, %parallel_loop3A_722] {strides = array<i32>} : memref<128x64xf32, #tpu.memory_space<vmem>>, vector<1x16xf32>,
      %parallel_loop3A_724 = vector.shape_cast %parallel_loop3A_723 : vector<1x16xf32> to vector<16xf32>
      %parallel_loop3A_725 = vector.shape_cast %parallel_loop3A_720 : vector<16xf32> to vector<1x16xf32>
      tpu.vector_store %arg7[%parallel_loop3A_721, %parallel_loop3A_722], %parallel_loop3A_725 {strides = array<i32>} : memref<128x64xf32, #tpu.memory_space<vmem>>, vector<1x16xf32>,
      %parallel_loop3A_726 = arith.index_cast %parallel_loop3A_695 : i32 to index
      %parallel_loop3A_727 = arith.constant 48 : index
      %parallel_loop3A_728 = tpu.vector_load %arg7[%parallel_loop3A_726, %parallel_loop3A_727] {strides = array<i32>} : memref<128x64xf32, #tpu.memory_space<vmem>>, vector<1x16xf32>,
      %parallel_loop3A_729 = vector.shape_cast %parallel_loop3A_728 : vector<1x16xf32> to vector<16xf32>
      %parallel_loop3A_730 = arith.mulf %parallel_loop3A_729, %parallel_loop3A_691 : vector<16xf32>
      %parallel_loop3A_731 = arith.index_cast %parallel_loop3A_695 : i32 to index
      %parallel_loop3A_732 = arith.constant 48 : index
      %parallel_loop3A_733 = tpu.vector_load %arg7[%parallel_loop3A_731, %parallel_loop3A_732] {strides = array<i32>} : memref<128x64xf32, #tpu.memory_space<vmem>>, vector<1x16xf32>,
      %parallel_loop3A_734 = vector.shape_cast %parallel_loop3A_733 : vector<1x16xf32> to vector<16xf32>
      %parallel_loop3A_735 = vector.shape_cast %parallel_loop3A_730 : vector<16xf32> to vector<1x16xf32>
      tpu.vector_store %arg7[%parallel_loop3A_731, %parallel_loop3A_732], %parallel_loop3A_735 {strides = array<i32>} : memref<128x64xf32, #tpu.memory_space<vmem>>, vector<1x16xf32>,
      %parallel_loop3A_736 = vector.extract_strided_slice %parallel_loop3A_77 {offsets = [14], sizes = [1], strides = [1]} : vector<16xf32> to vector<1xf32>
      %parallel_loop3A_737 = vector.extract %parallel_loop3A_736[0] : f32 from vector<1xf32>
      %parallel_loop3A_738 = vector.broadcast %parallel_loop3A_737 : f32 to vector<16xf32>
      %parallel_loop3A_739 = arith.constant 16 : i32
      %parallel_loop3A_740 = arith.muli %parallel_loop3A_68, %parallel_loop3A_739 : i32
      %parallel_loop3A_741 = arith.constant 14 : i32
      %parallel_loop3A_742 = arith.addi %parallel_loop3A_740, %parallel_loop3A_741 : i32
      %parallel_loop3A_743 = arith.index_cast %parallel_loop3A_742 : i32 to index
      %parallel_loop3A_744 = arith.constant 0 : index
      %parallel_loop3A_745 = tpu.vector_load %arg7[%parallel_loop3A_743, %parallel_loop3A_744] {strides = array<i32>} : memref<128x64xf32, #tpu.memory_space<vmem>>, vector<1x16xf32>,
      %parallel_loop3A_746 = vector.shape_cast %parallel_loop3A_745 : vector<1x16xf32> to vector<16xf32>
      %parallel_loop3A_747 = arith.mulf %parallel_loop3A_746, %parallel_loop3A_738 : vector<16xf32>
      %parallel_loop3A_748 = arith.index_cast %parallel_loop3A_742 : i32 to index
      %parallel_loop3A_749 = arith.constant 0 : index
      %parallel_loop3A_750 = tpu.vector_load %arg7[%parallel_loop3A_748, %parallel_loop3A_749] {strides = array<i32>} : memref<128x64xf32, #tpu.memory_space<vmem>>, vector<1x16xf32>,
      %parallel_loop3A_751 = vector.shape_cast %parallel_loop3A_750 : vector<1x16xf32> to vector<16xf32>
      %parallel_loop3A_752 = vector.shape_cast %parallel_loop3A_747 : vector<16xf32> to vector<1x16xf32>
      tpu.vector_store %arg7[%parallel_loop3A_748, %parallel_loop3A_749], %parallel_loop3A_752 {strides = array<i32>} : memref<128x64xf32, #tpu.memory_space<vmem>>, vector<1x16xf32>,
      %parallel_loop3A_753 = arith.index_cast %parallel_loop3A_742 : i32 to index
      %parallel_loop3A_754 = arith.constant 16 : index
      %parallel_loop3A_755 = tpu.vector_load %arg7[%parallel_loop3A_753, %parallel_loop3A_754] {strides = array<i32>} : memref<128x64xf32, #tpu.memory_space<vmem>>, vector<1x16xf32>,
      %parallel_loop3A_756 = vector.shape_cast %parallel_loop3A_755 : vector<1x16xf32> to vector<16xf32>
      %parallel_loop3A_757 = arith.mulf %parallel_loop3A_756, %parallel_loop3A_738 : vector<16xf32>
      %parallel_loop3A_758 = arith.index_cast %parallel_loop3A_742 : i32 to index
      %parallel_loop3A_759 = arith.constant 16 : index
      %parallel_loop3A_760 = tpu.vector_load %arg7[%parallel_loop3A_758, %parallel_loop3A_759] {strides = array<i32>} : memref<128x64xf32, #tpu.memory_space<vmem>>, vector<1x16xf32>,
      %parallel_loop3A_761 = vector.shape_cast %parallel_loop3A_760 : vector<1x16xf32> to vector<16xf32>
      %parallel_loop3A_762 = vector.shape_cast %parallel_loop3A_757 : vector<16xf32> to vector<1x16xf32>
      tpu.vector_store %arg7[%parallel_loop3A_758, %parallel_loop3A_759], %parallel_loop3A_762 {strides = array<i32>} : memref<128x64xf32, #tpu.memory_space<vmem>>, vector<1x16xf32>,
      %parallel_loop3A_763 = arith.index_cast %parallel_loop3A_742 : i32 to index
      %parallel_loop3A_764 = arith.constant 32 : index
      %parallel_loop3A_765 = tpu.vector_load %arg7[%parallel_loop3A_763, %parallel_loop3A_764] {strides = array<i32>} : memref<128x64xf32, #tpu.memory_space<vmem>>, vector<1x16xf32>,
      %parallel_loop3A_766 = vector.shape_cast %parallel_loop3A_765 : vector<1x16xf32> to vector<16xf32>
      %parallel_loop3A_767 = arith.mulf %parallel_loop3A_766, %parallel_loop3A_738 : vector<16xf32>
      %parallel_loop3A_768 = arith.index_cast %parallel_loop3A_742 : i32 to index
      %parallel_loop3A_769 = arith.constant 32 : index
      %parallel_loop3A_770 = tpu.vector_load %arg7[%parallel_loop3A_768, %parallel_loop3A_769] {strides = array<i32>} : memref<128x64xf32, #tpu.memory_space<vmem>>, vector<1x16xf32>,
      %parallel_loop3A_771 = vector.shape_cast %parallel_loop3A_770 : vector<1x16xf32> to vector<16xf32>
      %parallel_loop3A_772 = vector.shape_cast %parallel_loop3A_767 : vector<16xf32> to vector<1x16xf32>
      tpu.vector_store %arg7[%parallel_loop3A_768, %parallel_loop3A_769], %parallel_loop3A_772 {strides = array<i32>} : memref<128x64xf32, #tpu.memory_space<vmem>>, vector<1x16xf32>,
      %parallel_loop3A_773 = arith.index_cast %parallel_loop3A_742 : i32 to index
      %parallel_loop3A_774 = arith.constant 48 : index
      %parallel_loop3A_775 = tpu.vector_load %arg7[%parallel_loop3A_773, %parallel_loop3A_774] {strides = array<i32>} : memref<128x64xf32, #tpu.memory_space<vmem>>, vector<1x16xf32>,
      %parallel_loop3A_776 = vector.shape_cast %parallel_loop3A_775 : vector<1x16xf32> to vector<16xf32>
      %parallel_loop3A_777 = arith.mulf %parallel_loop3A_776, %parallel_loop3A_738 : vector<16xf32>
      %parallel_loop3A_778 = arith.index_cast %parallel_loop3A_742 : i32 to index
      %parallel_loop3A_779 = arith.constant 48 : index
      %parallel_loop3A_780 = tpu.vector_load %arg7[%parallel_loop3A_778, %parallel_loop3A_779] {strides = array<i32>} : memref<128x64xf32, #tpu.memory_space<vmem>>, vector<1x16xf32>,
      %parallel_loop3A_781 = vector.shape_cast %parallel_loop3A_780 : vector<1x16xf32> to vector<16xf32>
      %parallel_loop3A_782 = vector.shape_cast %parallel_loop3A_777 : vector<16xf32> to vector<1x16xf32>
      tpu.vector_store %arg7[%parallel_loop3A_778, %parallel_loop3A_779], %parallel_loop3A_782 {strides = array<i32>} : memref<128x64xf32, #tpu.memory_space<vmem>>, vector<1x16xf32>,
      %parallel_loop3A_783 = vector.extract_strided_slice %parallel_loop3A_77 {offsets = [15], sizes = [1], strides = [1]} : vector<16xf32> to vector<1xf32>
      %parallel_loop3A_784 = vector.extract %parallel_loop3A_783[0] : f32 from vector<1xf32>
      %parallel_loop3A_785 = vector.broadcast %parallel_loop3A_784 : f32 to vector<16xf32>
      %parallel_loop3A_786 = arith.constant 16 : i32
      %parallel_loop3A_787 = arith.muli %parallel_loop3A_68, %parallel_loop3A_786 : i32
      %parallel_loop3A_788 = arith.constant 15 : i32
      %parallel_loop3A_789 = arith.addi %parallel_loop3A_787, %parallel_loop3A_788 : i32
      %parallel_loop3A_790 = arith.index_cast %parallel_loop3A_789 : i32 to index
      %parallel_loop3A_791 = arith.constant 0 : index
      %parallel_loop3A_792 = tpu.vector_load %arg7[%parallel_loop3A_790, %parallel_loop3A_791] {strides = array<i32>} : memref<128x64xf32, #tpu.memory_space<vmem>>, vector<1x16xf32>,
      %parallel_loop3A_793 = vector.shape_cast %parallel_loop3A_792 : vector<1x16xf32> to vector<16xf32>
      %parallel_loop3A_794 = arith.mulf %parallel_loop3A_793, %parallel_loop3A_785 : vector<16xf32>
      %parallel_loop3A_795 = arith.index_cast %parallel_loop3A_789 : i32 to index
      %parallel_loop3A_796 = arith.constant 0 : index
      %parallel_loop3A_797 = tpu.vector_load %arg7[%parallel_loop3A_795, %parallel_loop3A_796] {strides = array<i32>} : memref<128x64xf32, #tpu.memory_space<vmem>>, vector<1x16xf32>,
      %parallel_loop3A_798 = vector.shape_cast %parallel_loop3A_797 : vector<1x16xf32> to vector<16xf32>
      %parallel_loop3A_799 = vector.shape_cast %parallel_loop3A_794 : vector<16xf32> to vector<1x16xf32>
      tpu.vector_store %arg7[%parallel_loop3A_795, %parallel_loop3A_796], %parallel_loop3A_799 {strides = array<i32>} : memref<128x64xf32, #tpu.memory_space<vmem>>, vector<1x16xf32>,
      %parallel_loop3A_800 = arith.index_cast %parallel_loop3A_789 : i32 to index
      %parallel_loop3A_801 = arith.constant 16 : index
      %parallel_loop3A_802 = tpu.vector_load %arg7[%parallel_loop3A_800, %parallel_loop3A_801] {strides = array<i32>} : memref<128x64xf32, #tpu.memory_space<vmem>>, vector<1x16xf32>,
      %parallel_loop3A_803 = vector.shape_cast %parallel_loop3A_802 : vector<1x16xf32> to vector<16xf32>
      %parallel_loop3A_804 = arith.mulf %parallel_loop3A_803, %parallel_loop3A_785 : vector<16xf32>
      %parallel_loop3A_805 = arith.index_cast %parallel_loop3A_789 : i32 to index
      %parallel_loop3A_806 = arith.constant 16 : index
      %parallel_loop3A_807 = tpu.vector_load %arg7[%parallel_loop3A_805, %parallel_loop3A_806] {strides = array<i32>} : memref<128x64xf32, #tpu.memory_space<vmem>>, vector<1x16xf32>,
      %parallel_loop3A_808 = vector.shape_cast %parallel_loop3A_807 : vector<1x16xf32> to vector<16xf32>
      %parallel_loop3A_809 = vector.shape_cast %parallel_loop3A_804 : vector<16xf32> to vector<1x16xf32>
      tpu.vector_store %arg7[%parallel_loop3A_805, %parallel_loop3A_806], %parallel_loop3A_809 {strides = array<i32>} : memref<128x64xf32, #tpu.memory_space<vmem>>, vector<1x16xf32>,
      %parallel_loop3A_810 = arith.index_cast %parallel_loop3A_789 : i32 to index
      %parallel_loop3A_811 = arith.constant 32 : index
      %parallel_loop3A_812 = tpu.vector_load %arg7[%parallel_loop3A_810, %parallel_loop3A_811] {strides = array<i32>} : memref<128x64xf32, #tpu.memory_space<vmem>>, vector<1x16xf32>,
      %parallel_loop3A_813 = vector.shape_cast %parallel_loop3A_812 : vector<1x16xf32> to vector<16xf32>
      %parallel_loop3A_814 = arith.mulf %parallel_loop3A_813, %parallel_loop3A_785 : vector<16xf32>
      %parallel_loop3A_815 = arith.index_cast %parallel_loop3A_789 : i32 to index
      %parallel_loop3A_816 = arith.constant 32 : index
      %parallel_loop3A_817 = tpu.vector_load %arg7[%parallel_loop3A_815, %parallel_loop3A_816] {strides = array<i32>} : memref<128x64xf32, #tpu.memory_space<vmem>>, vector<1x16xf32>,
      %parallel_loop3A_818 = vector.shape_cast %parallel_loop3A_817 : vector<1x16xf32> to vector<16xf32>
      %parallel_loop3A_819 = vector.shape_cast %parallel_loop3A_814 : vector<16xf32> to vector<1x16xf32>
      tpu.vector_store %arg7[%parallel_loop3A_815, %parallel_loop3A_816], %parallel_loop3A_819 {strides = array<i32>} : memref<128x64xf32, #tpu.memory_space<vmem>>, vector<1x16xf32>,
      %parallel_loop3A_820 = arith.index_cast %parallel_loop3A_789 : i32 to index
      %parallel_loop3A_821 = arith.constant 48 : index
      %parallel_loop3A_822 = tpu.vector_load %arg7[%parallel_loop3A_820, %parallel_loop3A_821] {strides = array<i32>} : memref<128x64xf32, #tpu.memory_space<vmem>>, vector<1x16xf32>,
      %parallel_loop3A_823 = vector.shape_cast %parallel_loop3A_822 : vector<1x16xf32> to vector<16xf32>
      %parallel_loop3A_824 = arith.mulf %parallel_loop3A_823, %parallel_loop3A_785 : vector<16xf32>
      %parallel_loop3A_825 = arith.index_cast %parallel_loop3A_789 : i32 to index
      %parallel_loop3A_826 = arith.constant 48 : index
      %parallel_loop3A_827 = tpu.vector_load %arg7[%parallel_loop3A_825, %parallel_loop3A_826] {strides = array<i32>} : memref<128x64xf32, #tpu.memory_space<vmem>>, vector<1x16xf32>,
      %parallel_loop3A_828 = vector.shape_cast %parallel_loop3A_827 : vector<1x16xf32> to vector<16xf32>
      %parallel_loop3A_829 = vector.shape_cast %parallel_loop3A_824 : vector<16xf32> to vector<1x16xf32>
      tpu.vector_store %arg7[%parallel_loop3A_825, %parallel_loop3A_826], %parallel_loop3A_829 {strides = array<i32>} : memref<128x64xf32, #tpu.memory_space<vmem>>, vector<1x16xf32>,
    } {sc.loop_unroll_factor = 1 : i64, sc.parallel_access}
    "tpu.region"() ({
      %run_scoped3A = tpu.sem_alloc : memref<!tpu.dma_semaphore, #tpu.memory_space<semaphore_mem>>
      %dma_start3A_68 = arith.constant 0 : i32
      %dma_start3A_69 = tpu.memref_slice %arg5[%mul3A_2, %dma_start3A_68] : memref<4096x64xf32, #tpu.memory_space<hbm>> -> memref<128x64xf32, #tpu.memory_space<hbm>>
      %dma_start3A_70 = arith.constant 0 : i32
      %dma_start3A_71 = tpu.memref_slice %arg5[%mul3A_2, %dma_start3A_70] : memref<4096x64xf32, #tpu.memory_space<hbm>> -> memref<128x64xf32, #tpu.memory_space<hbm>>
      tpu.enqueue_dma source(%arg7 : memref<128x64xf32, #tpu.memory_space<vmem>>) target(%dma_start3A_71 : memref<128x64xf32, #tpu.memory_space<hbm>>) target_semaphore(%run_scoped3A : memref<!tpu.dma_semaphore, #tpu.memory_space<semaphore_mem>>)
      %dma_wait3A = arith.constant 0 : i32
      %dma_wait3A_72 = tpu.memref_slice %arg5[%mul3A_2, %dma_wait3A] : memref<4096x64xf32, #tpu.memory_space<hbm>> -> memref<128x64xf32, #tpu.memory_space<hbm>>
      %dma_wait3A_73 = arith.constant 0 : i32
      %dma_wait3A_74 = tpu.memref_slice %arg5[%mul3A_2, %dma_wait3A_73] : memref<4096x64xf32, #tpu.memory_space<hbm>> -> memref<128x64xf32, #tpu.memory_space<hbm>>
      tpu.wait_dma2 semaphore(%run_scoped3A : memref<!tpu.dma_semaphore, #tpu.memory_space<semaphore_mem>>) src(%arg7 : memref<128x64xf32, #tpu.memory_space<vmem>>) dst(%dma_wait3A_74 : memref<128x64xf32, #tpu.memory_space<hbm>>)
      tpu.yield
    }) : () -> ()
    return
  }
}

</mosaic_0001>

<sc_bundles>
// kernel: kernel.3.cloned.1.call-start
scs
__scs_entry_jumppad:
0x0: {  	(pc) =	sbr.rel $0x88, $3  }
0x1: {  	(tag) =	ssettag $0x0;
	lr =	simm.s32 $0x1  }
0x2: {  	[smem:$0x3F9E] =	sst lr;
	_ =	strace $0xD0000000  }
0x3: {  	_ = 	snop  }
0x4: {  	_ = 	snop  }
0x5: {  	_ = 	snop  }
0x6: {  	_ = 	snop  }
0x7: {  	_ = 	snop  }
__scs_overlays_trampoline_lowered:
0x8: {  	[smem:$0x3FAD] =	sst s0  }
0x9: {  	[smem:$0x3FAE] =	sst s1  }
0xa: {  	[smem:$0x3FAF] =	sst s2  }
0xb: {  	[smem:$0x3FB0] =	sst s3  }
0xc: {  	[smem:$0x3FB1] =	sst s4  }
0xd: {  	[smem:$0x3FB2] =	sst s5  }
0xe: {  	[smem:$0x3FB3] =	sst s6  }
0xf: {  	[smem:$0x3FB4] =	sst s7  }
0x10: {  	[smem:$0x3FB5] =	sst s8  }
0x11: {  	[smem:$0x3FB6] =	sst s9;
	s0 =	simm.s32 @!p0 $0x0  }
0x12: {  	s1 =	sld [smem:$0x3F9C];
	s0 =	simm.s32 @p0 $0x1  }
0x13: {  	[smem:$0x3FB7] =	sst s0;
	s0 =	simm.s32 @!p1 $0x0  }
0x14: {  	s2 =	sld [smem:$0x3F9B];
	s0 =	simm.s32 @p1 $0x1  }
0x15: {  	[smem:$0x3FB8] =	sst s0;
	s0 =	simm.s32 @!p2 $0x0  }
0x16: {  	s3 =	sld [smem:$0x3FDB];
	s0 =	simm.s32 @p2 $0x1  }
0x17: {  	s4 =	simm.s32 $0x1BF5;
	[smem:$0x3FBA] =	sst s0  }
0x18: {  	s0 =	sld [smem:$0x3F9D];
	_ =	swait.ge [sflag:s4], $0x0  }
0x19: {  	s7 =	sld [smem:$0x3F9E]  }
0x1a: {  	s8 =	sadd.s32 $0xFFFFE003, lr  }
0x1b: {  	s9 =	sadd.s32 $0xFFFFFEF7, lr;
	s5 =	simm.s32 $0xFFFFFFFF;
	p2 =	slt.u32 s8, $0xFFFFF086  }
0x1c: {  	p1 =	slt.u32 s9, $0xF7A;
	s5 =	simm.s32 @!p2 $0x0  }
0x1d: {  	s5 =	simm.s32 @p1 $0x1;
	p0 =	seq.s32 s7, s2  }
0x1e: {  	s7 =	smul.u32 @!p0 $0xF7A, s2;
	p2 =	seq.s32 @!p0 s5, $0x0  }
0x1f: {  	s9 =	smul.u32 $0xF7A, s1;
	s8 =	simm.s32 @!p0 $0x1BF5;
	p2 =	por !p2, p0  }
0x20: {  	[sflag:s8] =	ssyncset.s32 @!p0 $0xFFFFF086;
	s6 =	sadd.s32 @!p0 s3, s7;
	s7 =	simm.s32 @!p0 $0x108  }
0x21: {  	s3 =	sadd.s32 s3, s9;
	s6 =	sadd.s32 @!p0 $0x88, s6;
	s7 =	simm.s32 @p2 $0x1082  }
0x22: {  	[simem:s7], [sflag:s8] =	dma.local @!p0 [hbm:s6], $0xF7A  }
0x23: {  	s9 =	sor.u32 $0xD0000000, s2;
	s6 =	simm.s32 $0x108;
	_ =	swait.ge @!p0 [sflag:s8], $0x0  }
0x24: {  	s3 =	sadd.s32 $0x88, s3;
	s6 =	simm.s32 @!p1 $0x1082;
	[sflag:s4] =	ssyncset.s32 $0xFFFFF086  }
0x25: {  	[simem:s6], [sflag:s4] =	dma.local [hbm:s3], $0xF7A  }
0x26: {  	[smem:$0x3F9E] =	sst s1;
	(tag) =	ssettag s2;
	_ =	strace s9  }
0x27: {  	s1 =	sld [smem:$0x3FAE]  }
0x28: {  	s2 =	sld [smem:$0x3FAF]  }
0x29: {  	s4 =	sld [smem:$0x3FB1]  }
0x2a: {  	p0 =	seq.s32 s5, $0x0;
	s5 =	sld [smem:$0x3FB2]  }
0x2b: {  	s6 =	sld [smem:$0x3FB3]  }
0x2c: {  	s7 =	sld [smem:$0x3FB4]  }
0x2d: {  	s3 =	simm.s32 $0x108;
	s8 =	sld [smem:$0x3FB5]  }
0x2e: {  	s3 =	simm.s32 @!p0 $0x1082;
	s9 =	sld [smem:$0x3FB6]  }
0x2f: {  	lr =	sadd.s32 s0, s3;
	s0 =	sld [smem:$0x3FAD]  }
0x30: {  	s3 =	sld [smem:$0x3FB0]  }
0x31: {  	[smem:$0x3FB9] =	sst s10  }
0x32: {  	s10 =	sld [smem:$0x3FB7];
	_ =	sdelay $0x3  }
0x33: {  	p0 =	seq.s32 s10, $0x1;
	s10 =	sld [smem:$0x3FB9];
	_ =	sdelay $0x3  }
0x34: {  	[smem:$0x3FB9] =	sst s10  }
0x35: {  	s10 =	sld [smem:$0x3FB8];
	_ =	sdelay $0x3  }
0x36: {  	p1 =	seq.s32 s10, $0x1;
	s10 =	sld [smem:$0x3FB9];
	_ =	sdelay $0x3  }
0x37: {  	[smem:$0x3FB9] =	sst s10  }
0x38: {  	s10 =	sld [smem:$0x3FBA]  }
0x39: {  	_ = 	snop;
	(pc) =	sbr.ind lr, $3  }
0x3a: {  	_ = 	snop  }
0x3b: {  	_ = 	snop  }
0x3c: {  	p2 =	seq.s32 s10, $0x1;
	s10 =	sld [smem:$0x3FB9]  }
0x3d: {  	_ =	shalt  }
0x3e: {  	_ =	shalt  }
0x3f: {  	_ =	shalt  }
0x40: {  	_ =	shalt  }
0x41: {  	_ =	shalt  }
0x42: {  	_ =	shalt  }
0x43: {  	_ =	shalt  }
0x44: {  	_ =	shalt  }
0x45: {  	_ =	shalt  }
0x46: {  	_ =	shalt  }
0x47: {  	_ =	shalt  }
0x48: {  	_ =	shalt  }
0x49: {  	_ =	shalt  }
0x4a: {  	_ =	shalt  }
0x4b: {  	_ =	shalt  }
0x4c: {  	_ =	shalt  }
0x4d: {  	_ =	shalt  }
0x4e: {  	_ =	shalt  }
0x4f: {  	_ =	shalt  }
0x50: {  	_ =	shalt  }
0x51: {  	_ =	shalt  }
0x52: {  	_ =	shalt  }
0x53: {  	_ =	shalt  }
0x54: {  	_ =	shalt  }
0x55: {  	_ =	shalt  }
0x56: {  	_ =	shalt  }
0x57: {  	_ =	shalt  }
0x58: {  	_ =	shalt  }
0x59: {  	_ =	shalt  }
0x5a: {  	_ =	shalt  }
0x5b: {  	_ =	shalt  }
0x5c: {  	_ =	shalt  }
0x5d: {  	_ =	shalt  }
0x5e: {  	_ =	shalt  }
0x5f: {  	_ =	shalt  }
0x60: {  	_ =	shalt  }
0x61: {  	_ =	shalt  }
0x62: {  	_ =	shalt  }
0x63: {  	_ =	shalt  }
0x64: {  	_ =	shalt  }
0x65: {  	_ =	shalt  }
0x66: {  	_ =	shalt  }
0x67: {  	_ =	shalt  }
0x68: {  	_ =	shalt  }
0x69: {  	_ =	shalt  }
0x6a: {  	_ =	shalt  }
0x6b: {  	_ =	shalt  }
0x6c: {  	_ =	shalt  }
0x6d: {  	_ =	shalt  }
0x6e: {  	_ =	shalt  }
0x6f: {  	_ =	shalt  }
0x70: {  	_ =	shalt  }
0x71: {  	_ =	shalt  }
0x72: {  	_ =	shalt  }
0x73: {  	_ =	shalt  }
0x74: {  	_ =	shalt  }
0x75: {  	_ =	shalt  }
0x76: {  	_ =	shalt  }
0x77: {  	_ =	shalt  }
0x78: {  	_ =	shalt  }
0x79: {  	_ =	shalt  }
0x7a: {  	_ =	shalt  }
0x7b: {  	_ =	shalt  }
0x7c: {  	_ =	shalt  }
0x7d: {  	_ =	shalt  }
0x7e: {  	_ =	shalt  }
0x7f: {  	_ =	shalt  }
0x80: {  	_ =	shalt  }
0x81: {  	_ =	shalt  }
0x82: {  	_ =	shalt  }
0x83: {  	_ =	shalt  }
0x84: {  	_ =	shalt  }
0x85: {  	_ =	shalt  }
0x86: {  	_ =	shalt  }
0x87: {  	_ =	shalt  }
.Lfunc_end0:
.L_simem_size_0:
called_computation_lowered:
.L_overlay_start_0:
0x88: {  	s2 =	sld [smem:$0x3FD9]  }
0x89: {  	s3 =	sld [smem:$0x3FFE];
	_ =	sdelay $0x1  }
0x8a: {  	s1 =	srdreg.scid  }
0x8b: {  	s0 =	sand.u32 $0x1, s1  }
0x8c: {  	s17 =	sshll.u32 s0, $0xA;
	s2 =	sadd.s32 s3, s2  }
0x8d: {  	s2 =	sadd.s32 s2, s17  }
0x8e: {  	[smem:$0x3FC5] =	sst s2  }
0x8f: {  	_ = 	snop  }
0x90: {  	s2 =	sld [smem:$0x3FC8]  }
0x91: {  	s18 =	sld [smem:$0x3FD0];
	(tm) =	ssettm $0x1  }
0x92: {  	s4 =	sld [smem:$0x3FFB];
	_ =	sdelay $0x3  }
0x93: {  	_ =	strace s4  }
0x94: {  	s4 =	sld [smem:$0x3FFC];
	_ =	sdelay $0x3  }
0x95: {  	_ =	strace s4  }
0x96: {  	s4 =	sld [smem:$0x3FFD];
	_ =	sdelay $0x3  }
0x97: {  	_ =	strace s4  }
0x98: {  	_ =	strace $0x8FFFFFFF  }
0x99: {  	s19 =	sld [smem:$0x3FDB];
	_ =	sdelay $0x1  }
0x9a: {  	s5 =	simm.s32 $_scs_section_size  }
0x9b: {  	s6 =	simm.s32 $_size__tile_overlayer_lowered;
	s7 =	simm.s32 $_tile_overlayer_lowered  }
0x9c: {  	s22 =	simm.s32 $0x1BFF;
	s21 =	sshll.u32 s7, $0x1;
	s4 =	sadd.s32 s5, s19  }
0x9d: {  	s8 =	simm.s32 $0x0;
	s20 =	sshll.u32 s6, $0x1;
	s6 =	sadd.s32 s21, s4  }
0x9e: {  	[timem:s8], [sflag:s22] =	dma.local [hbm:s6], s20  }
0x9f: {  	_ =	swait.ge [sflag:s22], s20  }
0xa0: {  	s5 =	ssub.s32 $0x0, s20;
	[sflag:s22] =	ssyncset.done $0x0  }
0xa1: {  	[sflag:s22] =	ssyncadd.s32 s5;
	_ =	sdelay $0x1  }
0xa2: {  	s23 =	simm.s32 $0x1B8B  }
0xa3: {  	_ =	swait.ge [sflag:s23], $0x1  }
0xa4: {  	[sflag:s23] =	ssyncset.done $0x0  }
0xa5: {  	s25 =	simm.s32 $0x1B8E;
	s24 =	sld [smem:$0x3FFE];
	[sflag:s23] =	ssyncadd.s32 $0xFFFFFFFF  }
0xa6: {  	s26 =	simm.s32 $execute0_lowered;
	[smem:$0x3FD2] =	sst s25  }
0xa7: {  	s6 =	sshll.u32 s26, $0x1;
	_ =	strace $0x80000046;
	[dreg:$0x1] =	wrdreg $0xFFFFFFFF  }
0xa8: {  	s28 =	simm.s32 $_size_execute0_lowered;
	s4 =	sadd.s32 s4, s6;
	[dreg:$0x0] =	wrdreg $0x0  }
0xa9: {  	s6 =	sshll.u32 s28, $0x1;
	[dreg:$0x2] =	wrdreg s4  }
0xaa: {  	[dreg:$0x3] =	wrdreg s6  }
0xab: {  	[dreg:$0x4] =	wrdreg $0xC0  }
0xac: {  	_ =	task [dreg:s8], $0x5FFFF  }
0xad: {  	[dreg:$0x1] =	wrdreg $0xFFFFFFFF  }
0xae: {  	[dreg:$0x0] =	wrdreg $0x60  }
0xaf: {  	[dreg:$0x2] =	wrdreg s24  }
0xb0: {  	[dreg:$0x3] =	wrdreg s2  }
0xb1: {  	[dreg:$0x4] =	wrdreg s18  }
0xb2: {  	[dreg:$0x5] =	wrdreg $0x9  }
0xb3: {  	_ =	task.clear_ibuf [dreg:s8], $0x6FFFF;
	_ =	strace $0x90000046  }
0xb4: {  	s29 =	simm.s32 $0x9;
	_ =	strace $0x80000048  }
0xb5: {  	_ =	swait.ge [sflag:s29], $0x1  }
0xb6: {  	[sflag:s29] =	ssyncadd.s32 $0xFFFFFFFF  }
0xb7: {  	_ =	strace $0x90000048  }
0xb8: {  	_ =	sfence  }
0xb9: {  	s30 =	sld [smem:$0x0];
	_ =	sdelay $0x2  }
0xba: {  	s31 =	sshll.u32 s1, $0xD;
	s1 =	sshrl.u32 s1, $0x2  }
0xbb: {  	s3 =	sand.u32 $0x4000, s31;
	s1 =	sadd.s32 s1, s30  }
0xbc: {  	s0 =	sor.u32 s3, s0;
	s1 =	sshll.u32 s1, $0x11  }
0xbd: {  	s0 =	sor.u32 s1, s0  }
0xbe: {  	s0 =	sadd.s32 $0x8F2B, s0  }
0xbf: {  	[sflag:s0] =	ssyncadd.remote.s32 $0x1  }
0xc0: {  	_ =	sfence.sel $0xFFFF  }
0xc1: {  	[dreg:$0x0] =	wrdreg $0xFFFFFFFF;
	(pc) =	sbr.abs _section_cstart, $3  }
0xc2: {  	[dreg:$0x1] =	wrdreg $0xFFFFFFFF  }
0xc3: {  	_ =	task.clear_ibuf [dreg:s8], $0x2FFFF;
	_ =	strace $0x9FFFFFFF  }
0xc4: {  	(tm) =	ssettm $0x7FFFFFFF  }
0xc5: {  	_ =	shalt  }
tec
execute0_lowered:
.L_overlay_start_1:
0x0: {  	(tag) =	ssettag $0x1  }
0x1: {  	s0 =	rddreg [dreg:$0x0];
	s1 =	srdreg.scid  }
0x2: {  	s5 =	rddreg [dreg:$0x1];
	s2 =	stileid.u32  }
0x3: {  	s6 =	rddreg [dreg:$0x2];
	s10 =	simm.s32 $0x9;
	s11 =	simm.s32 $0x8400  }
0x4: {  	s12 =	simm.s32 $0x6400;
	s13 =	simm.s32 $0x100;
	s14 =	simm.s32 $0x180  }
0x5: {  	s15 =	simm.s32 $0x200;
	s16 =	simm.s32 $0x280;
	s17 =	simm.s32 $0x300  }
0x6: {  	s18 =	simm.s32 $0x380;
	s19 =	simm.s32 $0x1;
	s20 =	simm.s32 $0x2  }
0x7: {  	s21 =	simm.s32 $0x3;
	s22 =	simm.s32 $0x4;
	s23 =	simm.s32 $0x5  }
0x8: {  	s24 =	simm.s32 $0x6;
	s25 =	simm.s32 $0x7;
	s26 =	simm.s32 $0x8  }
0x9: {  	s1 =	sand.u32 $0x1, s1;
	s3 =	sshll.u32 s2, $0x8;
	s2 =	simm.s32 $0x0  }
0xa: {  	s28 =	simm.s32 $0x0;
	s4 =	sshll.u32 s1, $0x7;
	[smem:$0x7FF] =	sst s2  }
0xb: {  	s1 =	ssub.s32 $0x2, s1;
	s4 =	sor.u32 s4, s3;
	_ =	strace $0x80000047  }
0xc: {  	s9 =	sshrl.u32 s1, $0x1;
	s3 =	sadd.s32 $0x187000, s0;
	s7 =	sshrl.u32 s4, $0x3  }
0xd: {  	s30 =	ssub.s32 s1, s9;
	s31 =	sshll.u32 s4, $0x3;
	s9 =	simm.s32 $0x1000  }
0xe: {  	s8 =	sadd.s32 s7, s0;
	s5 =	sadd.s32 s5, s7;
	s6 =	sadd.s32 s6, s31  }
0xf: {  	v0 =	vimm.f32 $0.0e+00;
	s7 =	smax.u32 s30, $0x1;
	s4 =	sadd.s32 $0x600, s8;
	s8 =	simm.s32 $0x80  }
.LBB2_1:
0x10: {  	[tilespmem:s2], [sflag:$0x9] =	stream.strided.gather [hbm4b:s4+s8], $0x6400, s9, s8, $0x38;
	[tilespmem:$0x8480] =	vst v63  }
0x11: {  	_ =	swait.ge [sflag:s10], $0x6400  }
0x12: {  	[sflag:s10] =	ssyncset.done $0x0  }
0x13: {  	[sflag:s10] =	ssyncadd.s32 $0xFFFF9C00  }
0x14: {  	[tilespmem:s11], [sflag:$0x9] =	stream.linear.gather [hbm4b:s5+s2], $0x80, $0x38;
	[tilespmem:$0x8480] =	vst v63  }
0x15: {  	_ =	swait.ge [sflag:s10], $0x80  }
0x16: {  	[sflag:s10] =	ssyncset.done $0x0  }
0x17: {  	s1 =	simm.s32 $0x6500;
	[sflag:s10] =	ssyncadd.s32 $0xFFFFFF80  }
0x18: {  	[tilespmem:s1+$0xFFFFFF00] =	vst v0  }
0x19: {  	[tilespmem:s1+$0xF0] =	vst v0  }
0x1a: {  	[tilespmem:s1+$0xE0] =	vst v0  }
0x1b: {  	[tilespmem:s1+$0xD0] =	vst v0  }
0x1c: {  	[tilespmem:s1+$0xC0] =	vst v0  }
0x1d: {  	[tilespmem:s1+$0xB0] =	vst v0  }
0x1e: {  	[tilespmem:s1+$0xA0] =	vst v0  }
0x1f: {  	[tilespmem:s1+$0x90] =	vst v0  }
0x20: {  	[tilespmem:s1+$0x80] =	vst v0  }
0x21: {  	[tilespmem:s1+$0x70] =	vst v0  }
0x22: {  	[tilespmem:s1+$0x60] =	vst v0  }
0x23: {  	[tilespmem:s1+$0x50] =	vst v0  }
0x24: {  	[tilespmem:s1+$0x40] =	vst v0  }
0x25: {  	[tilespmem:s1+$0x30] =	vst v0  }
0x26: {  	[tilespmem:s1+$0x20] =	vst v0  }
0x27: {  	[tilespmem:s1+$0x10] =	vst v0  }
0x28: {  	[tilespmem:s1+$0x0] =	vst v0  }
0x29: {  	[tilespmem:s1+$0xFFFFFFF0] =	vst v0  }
0x2a: {  	[tilespmem:s1+$0xFFFFFFE0] =	vst v0  }
0x2b: {  	[tilespmem:s1+$0xFFFFFFD0] =	vst v0  }
0x2c: {  	[tilespmem:s1+$0xFFFFFFC0] =	vst v0  }
0x2d: {  	[tilespmem:s1+$0xFFFFFFB0] =	vst v0  }
0x2e: {  	[tilespmem:s1+$0xFFFFFFA0] =	vst v0  }
0x2f: {  	[tilespmem:s1+$0xFFFFFF90] =	vst v0  }
0x30: {  	[tilespmem:s1+$0xFFFFFF80] =	vst v0  }
0x31: {  	[tilespmem:s1+$0xFFFFFF70] =	vst v0  }
0x32: {  	[tilespmem:s1+$0xFFFFFF60] =	vst v0  }
0x33: {  	[tilespmem:s1+$0xFFFFFF50] =	vst v0  }
0x34: {  	[tilespmem:s1+$0xFFFFFF40] =	vst v0  }
0x35: {  	[tilespmem:s1+$0xFFFFFF30] =	vst v0  }
0x36: {  	s29 =	simm.s32 $0x0;
	[tilespmem:s1+$0xFFFFFF20] =	vst v0  }
.LBB2_2:
0x37: {  	s29 =	sadd.s32 $0x8, s29;
	[tilespmem:s1+$0xFFFFFF10] =	vst v0;
	s1 =	sadd.s32 $0x200, s1  }
0x38: {  	[tilespmem:s1+$0xFFFFFF00] =	vst v0;
	p0 =	slt.u32 s29, $0x78  }
0x39: {  	[tilespmem:s1+$0xF0] =	vst v0  }
0x3a: {  	[tilespmem:s1+$0xE0] =	vst v0  }
0x3b: {  	[tilespmem:s1+$0xD0] =	vst v0  }
0x3c: {  	[tilespmem:s1+$0xC0] =	vst v0  }
0x3d: {  	[tilespmem:s1+$0xB0] =	vst v0  }
0x3e: {  	[tilespmem:s1+$0xA0] =	vst v0  }
0x3f: {  	[tilespmem:s1+$0x90] =	vst v0  }
0x40: {  	[tilespmem:s1+$0x80] =	vst v0  }
0x41: {  	[tilespmem:s1+$0x70] =	vst v0  }
0x42: {  	[tilespmem:s1+$0x60] =	vst v0  }
0x43: {  	[tilespmem:s1+$0x50] =	vst v0  }
0x44: {  	[tilespmem:s1+$0x40] =	vst v0  }
0x45: {  	[tilespmem:s1+$0x30] =	vst v0  }
0x46: {  	[tilespmem:s1+$0x20] =	vst v0  }
0x47: {  	[tilespmem:s1+$0x10] =	vst v0  }
0x48: {  	[tilespmem:s1+$0x0] =	vst v0  }
0x49: {  	[tilespmem:s1+$0xFFFFFFF0] =	vst v0  }
0x4a: {  	[tilespmem:s1+$0xFFFFFFE0] =	vst v0  }
0x4b: {  	[tilespmem:s1+$0xFFFFFFD0] =	vst v0  }
0x4c: {  	[tilespmem:s1+$0xFFFFFFC0] =	vst v0  }
0x4d: {  	[tilespmem:s1+$0xFFFFFFB0] =	vst v0  }
0x4e: {  	[tilespmem:s1+$0xFFFFFFA0] =	vst v0  }
0x4f: {  	[tilespmem:s1+$0xFFFFFF90] =	vst v0  }
0x50: {  	[tilespmem:s1+$0xFFFFFF80] =	vst v0  }
0x51: {  	[tilespmem:s1+$0xFFFFFF70] =	vst v0  }
.Ltmp0:
0x52: {  	[tilespmem:s1+$0xFFFFFF60] =	vst v0;
	(pc) =	sbr.rel @p0 .LBB2_2-.Ltmp0, $4  }
0x53: {  	[tilespmem:s1+$0xFFFFFF50] =	vst v0  }
0x54: {  	[tilespmem:s1+$0xFFFFFF40] =	vst v0  }
0x55: {  	[tilespmem:s1+$0xFFFFFF30] =	vst v0  }
0x56: {  	[tilespmem:s1+$0xFFFFFF20] =	vst v0  }
0x57: {  	[tilespmem:s1+$0xFFFFFF10] =	vst v0;
	s0 =	simm.s32 $0x0  }
0x58: {  	[tilespmem:s12], [sflag:$0x1] =	stream.indirect.gather.add.f32 [hbm:s3], $0x40, s0, s8, $0xb8;
	[tilespmem:$0x8480] =	vst v63  }
0x59: {  	_ = 	snop  }
0x5a: {  	[tilespmem:s12], [sflag:$0x2] =	stream.indirect.gather.add.f32 [hbm:s3], $0x40, s8, s8, $0xb8;
	[tilespmem:$0x8480] =	vst v63  }
0x5b: {  	_ = 	snop  }
0x5c: {  	[tilespmem:s12], [sflag:$0x3] =	stream.indirect.gather.add.f32 [hbm:s3], $0x40, s13, s8, $0xb8;
	[tilespmem:$0x8480] =	vst v63  }
0x5d: {  	_ = 	snop  }
0x5e: {  	[tilespmem:s12], [sflag:$0x4] =	stream.indirect.gather.add.f32 [hbm:s3], $0x40, s14, s8, $0xb8;
	[tilespmem:$0x8480] =	vst v63  }
0x5f: {  	_ = 	snop  }
0x60: {  	[tilespmem:s12], [sflag:$0x5] =	stream.indirect.gather.add.f32 [hbm:s3], $0x40, s15, s8, $0xb8;
	[tilespmem:$0x8480] =	vst v63  }
0x61: {  	_ = 	snop  }
0x62: {  	[tilespmem:s12], [sflag:$0x6] =	stream.indirect.gather.add.f32 [hbm:s3], $0x40, s16, s8, $0xb8;
	[tilespmem:$0x8480] =	vst v63  }
0x63: {  	_ = 	snop  }
0x64: {  	[tilespmem:s12], [sflag:$0x7] =	stream.indirect.gather.add.f32 [hbm:s3], $0x40, s17, s8, $0xb8;
	[tilespmem:$0x8480] =	vst v63  }
0x65: {  	_ = 	snop  }
0x66: {  	[tilespmem:s12], [sflag:$0x8] =	stream.indirect.gather.add.f32 [hbm:s3], $0x40, s18, s8, $0xb8;
	[tilespmem:$0x8480] =	vst v63  }
0x67: {  	_ =	swait.ge [sflag:s19], $0x2000  }
0x68: {  	[sflag:s19] =	ssyncset.done $0x0  }
0x69: {  	s29 =	simm.s32 $0x400;
	[sflag:s19] =	ssyncadd.s32 $0xFFFFE000  }
0x6a: {  	[tilespmem:s12], [sflag:$0x1] =	stream.indirect.gather.add.f32 [hbm:s3], $0x40, s29, s8, $0xb8;
	[tilespmem:$0x8480] =	vst v63  }
0x6b: {  	_ =	swait.ge [sflag:s20], $0x2000  }
0x6c: {  	[sflag:s20] =	ssyncset.done $0x0  }
0x6d: {  	s30 =	simm.s32 $0x480;
	[sflag:s20] =	ssyncadd.s32 $0xFFFFE000  }
0x6e: {  	[tilespmem:s12], [sflag:$0x2] =	stream.indirect.gather.add.f32 [hbm:s3], $0x40, s30, s8, $0xb8;
	[tilespmem:$0x8480] =	vst v63  }
0x6f: {  	_ =	swait.ge [sflag:s21], $0x2000  }
0x70: {  	[sflag:s21] =	ssyncset.done $0x0  }
0x71: {  	s31 =	simm.s32 $0x500;
	[sflag:s21] =	ssyncadd.s32 $0xFFFFE000  }
0x72: {  	[tilespmem:s12], [sflag:$0x3] =	stream.indirect.gather.add.f32 [hbm:s3], $0x40, s31, s8, $0xb8;
	[tilespmem:$0x8480] =	vst v63  }
0x73: {  	_ =	swait.ge [sflag:s22], $0x2000  }
0x74: {  	[sflag:s22] =	ssyncset.done $0x0  }
0x75: {  	s1 =	simm.s32 $0x580;
	[sflag:s22] =	ssyncadd.s32 $0xFFFFE000  }
0x76: {  	[tilespmem:s12], [sflag:$0x4] =	stream.indirect.gather.add.f32 [hbm:s3], $0x40, s1, s8, $0xb8;
	[tilespmem:$0x8480] =	vst v63  }
0x77: {  	_ =	swait.ge [sflag:s23], $0x2000  }
0x78: {  	[sflag:s23] =	ssyncset.done $0x0  }
0x79: {  	s29 =	simm.s32 $0x600;
	[sflag:s23] =	ssyncadd.s32 $0xFFFFE000  }
0x7a: {  	[tilespmem:s12], [sflag:$0x5] =	stream.indirect.gather.add.f32 [hbm:s3], $0x40, s29, s8, $0xb8;
	[tilespmem:$0x8480] =	vst v63  }
0x7b: {  	_ =	swait.ge [sflag:s24], $0x2000  }
0x7c: {  	[sflag:s24] =	ssyncset.done $0x0  }
0x7d: {  	s30 =	simm.s32 $0x680;
	[sflag:s24] =	ssyncadd.s32 $0xFFFFE000  }
0x7e: {  	[tilespmem:s12], [sflag:$0x6] =	stream.indirect.gather.add.f32 [hbm:s3], $0x40, s30, s8, $0xb8;
	[tilespmem:$0x8480] =	vst v63  }
0x7f: {  	_ =	swait.ge [sflag:s25], $0x2000  }
0x80: {  	[sflag:s25] =	ssyncset.done $0x0  }
0x81: {  	s31 =	simm.s32 $0x700;
	[sflag:s25] =	ssyncadd.s32 $0xFFFFE000  }
0x82: {  	[tilespmem:s12], [sflag:$0x7] =	stream.indirect.gather.add.f32 [hbm:s3], $0x40, s31, s8, $0xb8;
	[tilespmem:$0x8480] =	vst v63  }
0x83: {  	_ =	swait.ge [sflag:s26], $0x2000  }
0x84: {  	[sflag:s26] =	ssyncset.done $0x0  }
0x85: {  	s0 =	simm.s32 $0x780;
	s1 =	simm.s32 $0x1000;
	[sflag:s26] =	ssyncadd.s32 $0xFFFFE000  }
.LBB2_4:
0x86: {  	[tilespmem:s12], [sflag:$0x8] =	stream.indirect.gather.add.f32 [hbm:s3], $0x40, s0, s8, $0xb8;
	[tilespmem:$0x8480] =	vst v63  }
0x87: {  	s0 =	smov.u32 s1  }
0x88: {  	p0 =	sne.s32 s1, $0x17000;
	s1 =	sadd.s32 $0x1000, s1;
	_ =	swait.ge [sflag:s19], $0x2000  }
0x89: {  	s29 =	sshra.s32 s0, $0x2;
	[sflag:s19] =	ssyncset.done $0x0  }
0x8a: {  	s0 =	sadd.s32 $0x400, s29;
	[sflag:s19] =	ssyncadd.s32 $0xFFFFE000  }
0x8b: {  	[tilespmem:s12], [sflag:$0x1] =	stream.indirect.gather.add.f32 [hbm:s3], $0x40, s0, s8, $0xb8;
	[tilespmem:$0x8480] =	vst v63  }
0x8c: {  	_ =	swait.ge [sflag:s20], $0x2000  }
0x8d: {  	[sflag:s20] =	ssyncset.done $0x0  }
0x8e: {  	s0 =	sadd.s32 $0x480, s29;
	[sflag:s20] =	ssyncadd.s32 $0xFFFFE000  }
0x8f: {  	[tilespmem:s12], [sflag:$0x2] =	stream.indirect.gather.add.f32 [hbm:s3], $0x40, s0, s8, $0xb8;
	[tilespmem:$0x8480] =	vst v63  }
0x90: {  	_ =	swait.ge [sflag:s21], $0x2000  }
0x91: {  	[sflag:s21] =	ssyncset.done $0x0  }
0x92: {  	s0 =	sadd.s32 $0x500, s29;
	[sflag:s21] =	ssyncadd.s32 $0xFFFFE000  }
0x93: {  	[tilespmem:s12], [sflag:$0x3] =	stream.indirect.gather.add.f32 [hbm:s3], $0x40, s0, s8, $0xb8;
	[tilespmem:$0x8480] =	vst v63  }
0x94: {  	_ =	swait.ge [sflag:s22], $0x2000  }
0x95: {  	[sflag:s22] =	ssyncset.done $0x0  }
0x96: {  	s0 =	sadd.s32 $0x580, s29;
	[sflag:s22] =	ssyncadd.s32 $0xFFFFE000  }
0x97: {  	[tilespmem:s12], [sflag:$0x4] =	stream.indirect.gather.add.f32 [hbm:s3], $0x40, s0, s8, $0xb8;
	[tilespmem:$0x8480] =	vst v63  }
0x98: {  	_ =	swait.ge [sflag:s23], $0x2000  }
0x99: {  	[sflag:s23] =	ssyncset.done $0x0  }
0x9a: {  	s0 =	sadd.s32 $0x600, s29;
	[sflag:s23] =	ssyncadd.s32 $0xFFFFE000  }
0x9b: {  	[tilespmem:s12], [sflag:$0x5] =	stream.indirect.gather.add.f32 [hbm:s3], $0x40, s0, s8, $0xb8;
	[tilespmem:$0x8480] =	vst v63  }
0x9c: {  	_ =	swait.ge [sflag:s24], $0x2000  }
0x9d: {  	[sflag:s24] =	ssyncset.done $0x0  }
0x9e: {  	s0 =	sadd.s32 $0x680, s29;
	[sflag:s24] =	ssyncadd.s32 $0xFFFFE000  }
0x9f: {  	[tilespmem:s12], [sflag:$0x6] =	stream.indirect.gather.add.f32 [hbm:s3], $0x40, s0, s8, $0xb8;
	[tilespmem:$0x8480] =	vst v63  }
0xa0: {  	_ =	swait.ge [sflag:s25], $0x2000  }
0xa1: {  	[sflag:s25] =	ssyncset.done $0x0  }
.Ltmp1:
0xa2: {  	s0 =	sadd.s32 $0x700, s29;
	[sflag:s25] =	ssyncadd.s32 $0xFFFFE000;
	(pc) =	sbr.rel @p0 .LBB2_4-.Ltmp1, $4  }
0xa3: {  	[tilespmem:s12], [sflag:$0x7] =	stream.indirect.gather.add.f32 [hbm:s3], $0x40, s0, s8, $0xb8;
	[tilespmem:$0x8480] =	vst v63  }
0xa4: {  	_ =	swait.ge [sflag:s26], $0x2000  }
0xa5: {  	[sflag:s26] =	ssyncset.done $0x0  }
0xa6: {  	s0 =	sadd.s32 $0x780, s29;
	[sflag:s26] =	ssyncadd.s32 $0xFFFFE000  }
0xa7: {  	[tilespmem:s12], [sflag:$0x8] =	stream.indirect.gather.add.f32 [hbm:s3], $0x40, s0, s8, $0xb8;
	[tilespmem:$0x8480] =	vst v63  }
0xa8: {  	_ =	swait.ge [sflag:s19], $0x2000  }
0xa9: {  	[sflag:s19] =	ssyncset.done $0x0  }
0xaa: {  	[sflag:s19] =	ssyncadd.s32 $0xFFFFE000  }
0xab: {  	_ =	swait.ge [sflag:s20], $0x2000  }
0xac: {  	[sflag:s20] =	ssyncset.done $0x0  }
0xad: {  	[sflag:s20] =	ssyncadd.s32 $0xFFFFE000  }
0xae: {  	_ =	swait.ge [sflag:s21], $0x2000  }
0xaf: {  	[sflag:s21] =	ssyncset.done $0x0  }
0xb0: {  	[sflag:s21] =	ssyncadd.s32 $0xFFFFE000  }
0xb1: {  	_ =	swait.ge [sflag:s22], $0x2000  }
0xb2: {  	[sflag:s22] =	ssyncset.done $0x0  }
0xb3: {  	[sflag:s22] =	ssyncadd.s32 $0xFFFFE000  }
0xb4: {  	_ =	swait.ge [sflag:s23], $0x2000  }
0xb5: {  	[sflag:s23] =	ssyncset.done $0x0  }
0xb6: {  	[sflag:s23] =	ssyncadd.s32 $0xFFFFE000  }
0xb7: {  	_ =	swait.ge [sflag:s24], $0x2000  }
0xb8: {  	[sflag:s24] =	ssyncset.done $0x0  }
0xb9: {  	[sflag:s24] =	ssyncadd.s32 $0xFFFFE000  }
0xba: {  	_ =	swait.ge [sflag:s25], $0x2000  }
0xbb: {  	[sflag:s25] =	ssyncset.done $0x0  }
0xbc: {  	[sflag:s25] =	ssyncadd.s32 $0xFFFFE000  }
0xbd: {  	_ =	swait.ge [sflag:s26], $0x2000  }
0xbe: {  	[sflag:s26] =	ssyncset.done $0x0  }
0xbf: {  	s1 =	simm.s32 $0x0;
	[sflag:s26] =	ssyncadd.s32 $0xFFFFE000  }
0xc0: {  	v1 =	vld [tilespmem:s1+$0x8400];
	_ =	sdelay $0x4  }
0xc1: {  	s29 =	simm.s32 $0x6600;
	v1 =	vcvt.s32.f32 v1  }
0xc2: {  	v4 =	vld [tilespmem:s29+$0xFFFFFE00]  }
0xc3: {  	v5 =	vld [tilespmem:s29+$0xFFFFFE10];
	(erf) = vrcp.f32 v1  }
0xc4: {  	v6 =	vld [tilespmem:s29+$0xFFFFFE20]  }
0xc5: {  	v7 =	vld [tilespmem:s29+$0xFFFFFE30]  }
0xc6: {  	v8 =	vld [tilespmem:s29+$0xFFFFFE40]  }
0xc7: {  	v9 =	vld [tilespmem:s29+$0xFFFFFE50]  }
0xc8: {  	v10 =	vld [tilespmem:s29+$0xFFFFFE60]  }
0xc9: {  	v12 =	vld [tilespmem:s29+$0xFFFFFE80]  }
0xca: {  	v1 =	vld [tilespmem:s29+$0x1F0]  }
0xcb: {  	v13 =	vld [tilespmem:s29+$0xFFFFFE90]  }
0xcc: {  	v14 =	vld [tilespmem:s29+$0xFFFFFEA0];
	v3 =	vpop (erf)  }
0xcd: {  	v15 =	vld [tilespmem:s29+$0xFFFFFEB0];
	v2 =	vbroadcast v3, $0xF  }
0xce: {  	s30 =	simm.s32 $0x6A00;
	v17 =	vld [tilespmem:s29+$0xFFFFFFD0];
	v11 =	vbroadcast v3, $0x0  }
0xcf: {  	v18 =	vld [tilespmem:s30+$0x1F0];
	v1 =	vmul.f32 v1, v2  }
0xd0: {  	v19 =	vld [tilespmem:s30+$0xFFFFFE00];
	v4 =	vmul.f32 v11, v4  }
0xd1: {  	v20 =	vld [tilespmem:s30+$0xFFFFFE10];
	v5 =	vmul.f32 v11, v5;
	[tilespmem:s29+$0x1F0] =	vst v1  }
0xd2: {  	v21 =	vld [tilespmem:s30+$0xFFFFFE20];
	v16 =	vbroadcast v3, $0x1;
	v6 =	vmul.f32 v6, v11;
	[tilespmem:s29+$0xFFFFFE00] =	vst v4  }
0xd3: {  	v7 =	vmul.f32 v7, v11;
	v1 =	vld [tilespmem:s29+$0xFFFFFE70];
	[tilespmem:s29+$0xFFFFFE10] =	vst v5  }
0xd4: {  	v22 =	vld [tilespmem:s30+$0xFFFFFE30];
	v61 =	vbroadcast v3, $0x7;
	v8 =	vmul.f32 v8, v16;
	[tilespmem:s29+$0xFFFFFE20] =	vst v6  }
0xd5: {  	v9 =	vmul.f32 v9, v16;
	v11 =	vbroadcast v3, $0x2;
	v4 =	vld [tilespmem:s29+$0xFFFFFEC0];
	[tilespmem:s29+$0xFFFFFE30] =	vst v7  }
0xd6: {  	v10 =	vmul.f32 v10, v16;
	v5 =	vld [tilespmem:s29+$0xFFFFFED0];
	[tilespmem:s29+$0xFFFFFE40] =	vst v8  }
0xd7: {  	v17 =	vmul.f32 v17, v61;
	v6 =	vld [tilespmem:s29+$0xFFFFFEE0];
	[tilespmem:s29+$0xFFFFFE50] =	vst v9;
	v12 =	vmul.f32 v12, v11  }
0xd8: {  	v7 =	vld [tilespmem:s29+$0xFFFFFEF0];
	[tilespmem:s29+$0xFFFFFE60] =	vst v10;
	v1 =	vmul.f32 v1, v16;
	v16 =	vbroadcast v3, $0x3  }
0xd9: {  	v23 =	vld [tilespmem:s30+$0xFFFFFE40];
	v13 =	vmul.f32 v13, v11;
	[tilespmem:s29+$0xFFFFFFD0] =	vst v17  }
0xda: {  	v24 =	vld [tilespmem:s30+$0xFFFFFE50];
	[tilespmem:s29+$0xFFFFFE80] =	vst v12;
	v4 =	vmul.f32 v4, v16  }
0xdb: {  	v9 =	vld [tilespmem:s29+$0xFFFFFF10];
	v14 =	vmul.f32 v14, v11;
	[tilespmem:s29+$0xFFFFFE90] =	vst v13  }
0xdc: {  	s1 =	simm.s32 $0x10;
	v11 =	vmul.f32 v15, v11;
	v15 =	vld [tilespmem:s29+$0xFFFFFF80];
	[tilespmem:s29+$0xFFFFFEC0] =	vst v4;
	v4 =	vmul.f32 v6, v16  }
0xdd: {  	[tilespmem:s29+$0xFFFFFEA0] =	vst v14;
	v5 =	vmul.f32 v5, v16;
	v6 =	vmul.f32 v7, v16;
	v16 =	vld [tilespmem:s1+$0x8400]  }
0xde: {  	v8 =	vld [tilespmem:s29+$0xFFFFFF00];
	[tilespmem:s29+$0xFFFFFEE0] =	vst v4;
	v4 =	vbroadcast v3, $0x4  }
0xdf: {  	v10 =	vld [tilespmem:s29+$0xFFFFFF20];
	[tilespmem:s29+$0xFFFFFEB0] =	vst v11  }
0xe0: {  	v30 =	vbroadcast v3, $0x6;
	[tilespmem:s29+$0xFFFFFE70] =	vst v1;
	v1 =	vld [tilespmem:s29+$0xFFFFFF30];
	v9 =	vmul.f32 v9, v4  }
0xe1: {  	[tilespmem:s29+$0xFFFFFED0] =	vst v5;
	v5 =	vld [tilespmem:s29+$0xFFFFFF90]  }
0xe2: {  	v15 =	vmul.f32 v15, v30;
	v7 =	vld [tilespmem:s29+$0xFFFFFFA0];
	[tilespmem:s29+$0xFFFFFF10] =	vst v9;
	v9 =	vcvt.s32.f32 v16  }
0xe3: {  	[tilespmem:s29+$0xFFFFFEF0] =	vst v6;
	v6 =	vld [tilespmem:s29+$0xFFFFFFB0];
	v8 =	vmul.f32 v8, v4  }
0xe4: {  	v12 =	vld [tilespmem:s29+$0xFFFFFF40];
	[tilespmem:s29+$0xFFFFFF80] =	vst v15;
	v10 =	vmul.f32 v10, v4;
	(erf) = vrcp.f32 v9  }
0xe5: {  	v13 =	vld [tilespmem:s29+$0xFFFFFF50];
	v1 =	vmul.f32 v1, v4;
	[tilespmem:s29+$0xFFFFFF00] =	vst v8  }
0xe6: {  	v14 =	vld [tilespmem:s29+$0xFFFFFF60];
	v5 =	vmul.f32 v5, v30;
	[tilespmem:s29+$0xFFFFFF20] =	vst v10  }
0xe7: {  	v11 =	vld [tilespmem:s29+$0xFFFFFF70];
	v7 =	vmul.f32 v7, v30;
	v16 =	vbroadcast v3, $0x5;
	[tilespmem:s29+$0xFFFFFF30] =	vst v1  }
0xe8: {  	v8 =	vld [tilespmem:s29+$0xFFFFFFC0];
	[tilespmem:s29+$0xFFFFFF90] =	vst v5;
	v6 =	vmul.f32 v6, v30  }
0xe9: {  	v10 =	vld [tilespmem:s29+$0xFFFFFFF0];
	[tilespmem:s29+$0xFFFFFFA0] =	vst v7;
	v4 =	vmul.f32 v12, v16  }
0xea: {  	v9 =	vld [tilespmem:s29+$0xFFFFFFE0];
	v13 =	vmul.f32 v13, v16;
	[tilespmem:s29+$0xFFFFFFB0] =	vst v6  }
0xeb: {  	v25 =	vld [tilespmem:s29+$0x10];
	v14 =	vmul.f32 v14, v16;
	[tilespmem:s29+$0xFFFFFF40] =	vst v4  }
0xec: {  	v27 =	vld [tilespmem:s30+$0xFFFFFE80];
	v11 =	vmul.f32 v11, v16;
	[tilespmem:s29+$0xFFFFFF50] =	vst v13  }
0xed: {  	v28 =	vld [tilespmem:s30+$0xFFFFFE90];
	[tilespmem:s29+$0xFFFFFF60] =	vst v14;
	v8 =	vmul.f32 v8, v61;
	v4 =	vpop (erf)  }
0xee: {  	v29 =	vld [tilespmem:s30+$0xFFFFFEA0];
	[tilespmem:s29+$0xFFFFFF70] =	vst v11;
	v10 =	vmul.f32 v10, v61;
	v1 =	vbroadcast v4, $0xF  }
0xef: {  	v60 =	vld [tilespmem:s29+$0x50];
	[tilespmem:s29+$0xFFFFFFC0] =	vst v8;
	v9 =	vmul.f32 v9, v61;
	v26 =	vbroadcast v4, $0x0  }
0xf0: {  	v62 =	vld [tilespmem:s29+$0x60];
	[tilespmem:s29+$0xFFFFFFF0] =	vst v10;
	v18 =	vmul.f32 v18, v1  }
0xf1: {  	v63 =	vld [tilespmem:s29+$0x70];
	[tilespmem:s29+$0xFFFFFFE0] =	vst v9;
	v19 =	vmul.f32 v26, v19  }
0xf2: {  	v13 =	vld [tilespmem:s30+$0xFFFFFE60];
	v20 =	vmul.f32 v26, v20;
	[tilespmem:s30+$0x1F0] =	vst v18  }
0xf3: {  	v33 =	vld [tilespmem:s29+$0x80];
	v31 =	vbroadcast v4, $0x1;
	v21 =	vmul.f32 v21, v26;
	[tilespmem:s30+$0xFFFFFE00] =	vst v19  }
0xf4: {  	v35 =	vld [tilespmem:s29+$0xA0];
	v22 =	vmul.f32 v22, v26;
	[tilespmem:s30+$0xFFFFFE10] =	vst v20  }
0xf5: {  	v36 =	vld [tilespmem:s29+$0xB0];
	v23 =	vmul.f32 v23, v31;
	[tilespmem:s30+$0xFFFFFE20] =	vst v21  }
0xf6: {  	v14 =	vld [tilespmem:s30+$0xFFFFFEB0];
	v34 =	vbroadcast v4, $0x2;
	v24 =	vmul.f32 v24, v31;
	[tilespmem:s30+$0xFFFFFE30] =	vst v22  }
0xf7: {  	v11 =	vld [tilespmem:s30+$0xFFFFFEC0];
	v13 =	vmul.f32 v13, v31;
	[tilespmem:s30+$0xFFFFFE40] =	vst v23  }
0xf8: {  	v15 =	vld [tilespmem:s30+$0xFFFFFED0];
	v27 =	vmul.f32 v27, v34;
	[tilespmem:s30+$0xFFFFFE50] =	vst v24  }
0xf9: {  	v5 =	vld [tilespmem:s30+$0xFFFFFEE0];
	v28 =	vmul.f32 v28, v34;
	[tilespmem:s30+$0xFFFFFE60] =	vst v13  }
0xfa: {  	v7 =	vld [tilespmem:s30+$0xFFFFFEF0];
	v38 =	vbroadcast v4, $0x3;
	v29 =	vmul.f32 v29, v34;
	[tilespmem:s30+$0xFFFFFE80] =	vst v27  }
0xfb: {  	v6 =	vld [tilespmem:s30+$0xFFFFFF00];
	v14 =	vmul.f32 v14, v34;
	[tilespmem:s30+$0xFFFFFE90] =	vst v28  }
0xfc: {  	v8 =	vld [tilespmem:s30+$0xFFFFFF10];
	v11 =	vmul.f32 v11, v38;
	[tilespmem:s30+$0xFFFFFEA0] =	vst v29  }
0xfd: {  	v9 =	vld [tilespmem:s30+$0xFFFFFF30];
	v15 =	vmul.f32 v15, v38;
	[tilespmem:s30+$0xFFFFFEB0] =	vst v14  }
0xfe: {  	v10 =	vld [tilespmem:s30+$0xFFFFFF40];
	v42 =	vbroadcast v4, $0x4;
	v5 =	vmul.f32 v5, v38;
	[tilespmem:s30+$0xFFFFFEC0] =	vst v11  }
0xff: {  	v37 =	vld [tilespmem:s29+$0xC0];
	v7 =	vmul.f32 v7, v38;
	[tilespmem:s30+$0xFFFFFED0] =	vst v15  }
0x100: {  	v39 =	vld [tilespmem:s30+$0xFFFFFF60];
	v6 =	vmul.f32 v6, v42;
	[tilespmem:s30+$0xFFFFFEE0] =	vst v5  }
0x101: {  	v40 =	vld [tilespmem:s29+$0xD0];
	v45 =	vbroadcast v4, $0x5;
	v8 =	vmul.f32 v8, v42;
	[tilespmem:s30+$0xFFFFFEF0] =	vst v7  }
0x102: {  	v17 =	vld [tilespmem:s29+$0x90];
	v9 =	vmul.f32 v9, v42;
	v14 =	vbroadcast v3, $0x9;
	[tilespmem:s30+$0xFFFFFF00] =	vst v6  }
0x103: {  	v41 =	vld [tilespmem:s29+$0x100];
	v10 =	vmul.f32 v10, v45;
	[tilespmem:s30+$0xFFFFFF10] =	vst v8  }
0x104: {  	v18 =	vld [tilespmem:s30+$0xFFFFFE70];
	v7 =	vbroadcast v3, $0xA;
	[tilespmem:s30+$0xFFFFFF30] =	vst v9;
	v15 =	vmul.f32 v60, v14  }
0x105: {  	v20 =	vld [tilespmem:s29+$0x40];
	[tilespmem:s30+$0xFFFFFF40] =	vst v10;
	v5 =	vmul.f32 v62, v14  }
0x106: {  	v13 =	vld [tilespmem:s30+$0xFFFFFF20];
	v9 =	vbroadcast v3, $0xB;
	v6 =	vmul.f32 v33, v7;
	[tilespmem:s29+$0x50] =	vst v15  }
0x107: {  	v43 =	vld [tilespmem:s29+$0x110];
	v8 =	vmul.f32 v17, v7;
	[tilespmem:s29+$0x60] =	vst v5  }
0x108: {  	v44 =	vld [tilespmem:s29+$0x120];
	v10 =	vmul.f32 v37, v9;
	[tilespmem:s29+$0x80] =	vst v6  }
0x109: {  	v46 =	vld [tilespmem:s29+$0x140];
	[tilespmem:s29+$0x90] =	vst v8;
	v18 =	vmul.f32 v18, v31  }
0x10a: {  	v12 =	vld [tilespmem:s29+$0x0];
	[tilespmem:s29+$0xC0] =	vst v10;
	v11 =	vmul.f32 v20, v14  }
0x10b: {  	v47 =	vld [tilespmem:s29+$0x150];
	v13 =	vmul.f32 v13, v42;
	[tilespmem:s30+$0xFFFFFE70] =	vst v18  }
0x10c: {  	v16 =	vld [tilespmem:s29+$0x20];
	v14 =	vmul.f32 v63, v14;
	[tilespmem:s29+$0x40] =	vst v11  }
0x10d: {  	v19 =	vld [tilespmem:s29+$0x30];
	v18 =	vbroadcast v3, $0x8;
	[tilespmem:s30+$0xFFFFFF20] =	vst v13;
	v13 =	vmul.f32 v35, v7  }
0x10e: {  	v15 =	vld [tilespmem:s30+$0xFFFFFFA0];
	[tilespmem:s29+$0x70] =	vst v14;
	v7 =	vmul.f32 v36, v7  }
0x10f: {  	v5 =	vld [tilespmem:s30+$0xFFFFFFB0];
	v12 =	vmul.f32 v12, v18;
	[tilespmem:s29+$0xA0] =	vst v13  }
0x110: {  	v6 =	vld [tilespmem:s30+$0xFFFFFFD0];
	v25 =	vmul.f32 v25, v18;
	[tilespmem:s29+$0xB0] =	vst v7  }
0x111: {  	v50 =	vbroadcast v4, $0x6;
	v8 =	vld [tilespmem:s30+$0xFFFFFFE0];
	v16 =	vmul.f32 v16, v18;
	[tilespmem:s29+$0x0] =	vst v12  }
0x112: {  	v10 =	vld [tilespmem:s30+$0x10];
	v18 =	vmul.f32 v19, v18;
	[tilespmem:s29+$0x10] =	vst v25  }
0x113: {  	v48 =	vld [tilespmem:s29+$0x160];
	v54 =	vbroadcast v4, $0x7;
	v15 =	vmul.f32 v15, v50;
	[tilespmem:s29+$0x20] =	vst v16  }
0x114: {  	v11 =	vld [tilespmem:s30+$0xFFFFFF90];
	v5 =	vmul.f32 v5, v50;
	[tilespmem:s29+$0x30] =	vst v18  }
0x115: {  	v57 =	vbroadcast v4, $0x8;
	v14 =	vld [tilespmem:s30+$0xFFFFFFC0];
	v6 =	vmul.f32 v6, v54;
	[tilespmem:s30+$0xFFFFFFA0] =	vst v15  }
0x116: {  	v49 =	vld [tilespmem:s29+$0x170];
	v8 =	vmul.f32 v8, v54;
	[tilespmem:s30+$0xFFFFFFB0] =	vst v5  }
0x117: {  	v51 =	vld [tilespmem:s29+$0x180];
	v10 =	vmul.f32 v10, v57;
	[tilespmem:s30+$0xFFFFFFD0] =	vst v6  }
0x118: {  	v19 =	vld [tilespmem:s29+$0xE0];
	v25 =	vmul.f32 v39, v45;
	[tilespmem:s30+$0xFFFFFFE0] =	vst v8  }
0x119: {  	v52 =	vld [tilespmem:s30+$0x40];
	v5 =	vbroadcast v3, $0xD;
	[tilespmem:s30+$0x10] =	vst v10;
	v11 =	vmul.f32 v11, v50  }
0x11a: {  	v13 =	vld [tilespmem:s30+$0xFFFFFFF0];
	v14 =	vmul.f32 v14, v54;
	[tilespmem:s30+$0xFFFFFF60] =	vst v25  }
0x11b: {  	v55 =	vld [tilespmem:s30+$0x60];
	v6 =	vmul.f32 v47, v5;
	[tilespmem:s30+$0xFFFFFF90] =	vst v11  }
0x11c: {  	v7 =	vld [tilespmem:s30+$0x0];
	v8 =	vmul.f32 v48, v5;
	[tilespmem:s30+$0xFFFFFFC0] =	vst v14  }
0x11d: {  	v12 =	vld [tilespmem:s30+$0xFFFFFF50];
	v19 =	vmul.f32 v19, v9;
	[tilespmem:s29+$0x150] =	vst v6  }
0x11e: {  	v16 =	vld [tilespmem:s30+$0xFFFFFF70];
	v14 =	vmul.f32 v46, v5;
	[tilespmem:s29+$0x160] =	vst v8  }
0x11f: {  	v18 =	vld [tilespmem:s30+$0xFFFFFF80];
	v13 =	vmul.f32 v13, v54;
	[tilespmem:s29+$0xE0] =	vst v19  }
0x120: {  	v58 =	vld [tilespmem:s30+$0xA0];
	v5 =	vmul.f32 v49, v5;
	[tilespmem:s29+$0x140] =	vst v14  }
0x121: {  	v20 =	vld [tilespmem:s29+$0xF0];
	v6 =	vmul.f32 v7, v57;
	[tilespmem:s30+$0xFFFFFFF0] =	vst v13  }
0x122: {  	v53 =	vld [tilespmem:s29+$0x1B0];
	v12 =	vmul.f32 v12, v45;
	[tilespmem:s29+$0x170] =	vst v5  }
0x123: {  	v56 =	vld [tilespmem:s29+$0x1E0];
	v16 =	vmul.f32 v16, v45;
	[tilespmem:s30+$0x0] =	vst v6  }
0x124: {  	v17 =	vld [tilespmem:s29+$0x130];
	v18 =	vmul.f32 v18, v50;
	[tilespmem:s30+$0xFFFFFF50] =	vst v12  }
0x125: {  	v60 =	vld [tilespmem:s30+$0xC0];
	v12 =	vmul.f32 v40, v9;
	[tilespmem:s30+$0xFFFFFF70] =	vst v16;
	v16 =	vbroadcast v3, $0xC  }
0x126: {  	v19 =	vld [tilespmem:s30+$0x30];
	v9 =	vmul.f32 v20, v9;
	[tilespmem:s30+$0xFFFFFF80] =	vst v18  }
0x127: {  	v20 =	vld [tilespmem:s29+$0x190];
	[tilespmem:s29+$0xD0] =	vst v12;
	v18 =	vmul.f32 v41, v16  }
0x128: {  	v62 =	vbroadcast v4, $0x9;
	v12 =	vld [tilespmem:s30+$0x20];
	[tilespmem:s29+$0xF0] =	vst v9;
	v11 =	vmul.f32 v43, v16  }
0x129: {  	v3 =	vbroadcast v3, $0xE;
	v9 =	vld [tilespmem:s29+$0x1A0];
	v15 =	vmul.f32 v44, v16;
	[tilespmem:s29+$0x100] =	vst v18  }
0x12a: {  	v63 =	vbroadcast v4, $0xA;
	v16 =	vmul.f32 v17, v16;
	v17 =	vld [tilespmem:s29+$0x1D0];
	[tilespmem:s29+$0x110] =	vst v11  }
0x12b: {  	v5 =	vbroadcast v4, $0xD;
	v7 =	vmul.f32 v51, v3;
	v11 =	vld [tilespmem:s29+$0x1C0];
	[tilespmem:s29+$0x120] =	vst v15  }
0x12c: {  	v6 =	vbroadcast v4, $0xC;
	v59 =	vmul.f32 v53, v3;
	v18 =	vld [tilespmem:s30+$0x50];
	[tilespmem:s29+$0x130] =	vst v16  }
0x12d: {  	v15 =	vld [tilespmem:s30+$0x70];
	[tilespmem:s29+$0x180] =	vst v7;
	v7 =	vbroadcast v4, $0xB;
	v8 =	vmul.f32 v20, v3  }
0x12e: {  	v16 =	vld [tilespmem:s30+$0x80];
	[tilespmem:s29+$0x1B0] =	vst v59;
	v20 =	vmul.f32 v9, v3;
	v3 =	vmul.f32 v12, v57  }
0x12f: {  	v14 =	vld [tilespmem:s30+$0x90];
	v4 =	vbroadcast v4, $0xE;
	[tilespmem:s29+$0x190] =	vst v8;
	v8 =	vmul.f32 v52, v62  }
0x130: {  	v13 =	vld [tilespmem:s30+$0xB0];
	v12 =	vmul.f32 v55, v62;
	v61 =	vmul.f32 v11, v2;
	[tilespmem:s30+$0x20] =	vst v3  }
0x131: {  	v9 =	vld [tilespmem:s30+$0xD0];
	v11 =	vmul.f32 v19, v57;
	[tilespmem:s29+$0x1A0] =	vst v20;
	v3 =	vmul.f32 v17, v2  }
0x132: {  	v10 =	vld [tilespmem:s30+$0xE0];
	v2 =	vmul.f32 v56, v2;
	v19 =	vmul.f32 v18, v62;
	[tilespmem:s30+$0x40] =	vst v8  }
0x133: {  	v18 =	vmul.f32 v15, v62;
	v16 =	vmul.f32 v16, v63;
	[tilespmem:s30+$0x30] =	vst v11;
	v11 =	vld [tilespmem:s30+$0xF0]  }
0x134: {  	v8 =	vld [tilespmem:s30+$0x100];
	v17 =	vmul.f32 v14, v63;
	v14 =	vmul.f32 v58, v63;
	[tilespmem:s30+$0x50] =	vst v19  }
0x135: {  	s0 =	simm.s32 $0x20;
	s31 =	simm.s32 $0x6A00;
	s1 =	simm.s32 $0xC0;
	v15 =	vmul.f32 v13, v63;
	v13 =	vld [tilespmem:s30+$0x110];
	[tilespmem:s29+$0x1C0] =	vst v61;
	v19 =	vmul.f32 v60, v7  }
.LBB2_6:
0x136: {  	p0 =	sne.s32 s1, $0x1C0;
	v20 =	vld [tilespmem:s0+$0x8400];
	[tilespmem:s30+$0x60] =	vst v12;
	v9 =	vmul.f32 v9, v7  }
0x137: {  	[tilespmem:s30+$0x70] =	vst v18;
	v10 =	vmul.f32 v10, v7;
	v12 =	vld [tilespmem:s30+$0x120]  }
0x138: {  	[tilespmem:s30+$0x80] =	vst v16;
	v7 =	vmul.f32 v11, v7;
	v11 =	vld [tilespmem:s30+$0x130]  }
0x139: {  	[tilespmem:s30+$0x90] =	vst v17;
	v8 =	vmul.f32 v8, v6;
	v16 =	vld [tilespmem:s30+$0x140]  }
0x13a: {  	[tilespmem:s30+$0xA0] =	vst v14;
	v13 =	vmul.f32 v13, v6;
	v14 =	vld [tilespmem:s30+$0x150]  }
0x13b: {  	v17 =	vcvt.s32.f32 v20;
	[tilespmem:s30+$0xB0] =	vst v15;
	v15 =	vld [tilespmem:s30+$0x160]  }
0x13c: {  	[tilespmem:s30+$0xC0] =	vst v19;
	v12 =	vmul.f32 v12, v6;
	v18 =	vld [tilespmem:s30+$0x170]  }
0x13d: {  	(erf) = vrcp.f32 v17;
	[tilespmem:s30+$0xD0] =	vst v9;
	v6 =	vmul.f32 v11, v6;
	v9 =	vld [tilespmem:s30+$0x180]  }
0x13e: {  	[tilespmem:s30+$0xE0] =	vst v10;
	v10 =	vmul.f32 v16, v5;
	v11 =	vld [tilespmem:s30+$0x190]  }
0x13f: {  	[tilespmem:s30+$0xF0] =	vst v7;
	v7 =	vmul.f32 v14, v5;
	v14 =	vld [tilespmem:s30+$0x1A0]  }
0x140: {  	[tilespmem:s30+$0x100] =	vst v8;
	v8 =	vmul.f32 v15, v5;
	v15 =	vld [tilespmem:s30+$0x1B0]  }
0x141: {  	[tilespmem:s30+$0x110] =	vst v13;
	v5 =	vmul.f32 v18, v5;
	v13 =	vld [tilespmem:s30+$0x1C0]  }
0x142: {  	[tilespmem:s30+$0x120] =	vst v12;
	v9 =	vmul.f32 v9, v4;
	v12 =	vld [tilespmem:s30+$0x1D0]  }
0x143: {  	s30 =	sadd.s32 $0x400, s30;
	[tilespmem:s31+$0x130] =	vst v6;
	v6 =	vmul.f32 v11, v4;
	v16 =	vld [tilespmem:s31+$0x1E0]  }
0x144: {  	v11 =	vld [tilespmem:s30+$0x1F0];
	[tilespmem:s31+$0x140] =	vst v10;
	v10 =	vmul.f32 v14, v4  }
0x145: {  	v14 =	vld [tilespmem:s30+$0xFFFFFE00];
	[tilespmem:s31+$0x150] =	vst v7;
	v4 =	vmul.f32 v15, v4  }
0x146: {  	v15 =	vld [tilespmem:s30+$0xFFFFFE10];
	v17 =	vpop (erf);
	[tilespmem:s31+$0x160] =	vst v8;
	v13 =	vmul.f32 v13, v1  }
0x147: {  	v18 =	vbroadcast v17, $0x0;
	v19 =	vld [tilespmem:s30+$0xFFFFFE20];
	v20 =	vbroadcast v17, $0xF;
	[tilespmem:s31+$0x170] =	vst v5  }
0x148: {  	v22 =	vbroadcast v17, $0x1;
	v23 =	vbroadcast v17, $0x2;
	v21 =	vld [tilespmem:s30+$0xFFFFFE30];
	[tilespmem:s31+$0x180] =	vst v9  }
0x149: {  	v25 =	vbroadcast v17, $0x3;
	v24 =	vld [tilespmem:s30+$0xFFFFFE40];
	v5 =	vmul.f32 v11, v20;
	[tilespmem:s31+$0x190] =	vst v6  }
0x14a: {  	v27 =	vbroadcast v17, $0x4;
	v28 =	vbroadcast v17, $0x5;
	v26 =	vld [tilespmem:s30+$0xFFFFFE50];
	[tilespmem:s31+$0x1A0] =	vst v10  }
0x14b: {  	v30 =	vbroadcast v17, $0x6;
	v11 =	vbroadcast v17, $0x7;
	v29 =	vld [tilespmem:s30+$0xFFFFFE60];
	[tilespmem:s30+$0x1F0] =	vst v5  }
0x14c: {  	v9 =	vbroadcast v17, $0x9;
	v10 =	vbroadcast v17, $0x8;
	v31 =	vld [tilespmem:s30+$0xFFFFFE70];
	[tilespmem:s31+$0x1B0] =	vst v4  }
0x14d: {  	v8 =	vbroadcast v17, $0xA;
	v7 =	vbroadcast v17, $0xB;
	v32 =	vld [tilespmem:s30+$0xFFFFFE80];
	[tilespmem:s31+$0x1C0] =	vst v13  }
0x14e: {  	v6 =	vbroadcast v17, $0xC;
	v5 =	vbroadcast v17, $0xD;
	v13 =	vld [tilespmem:s30+$0xFFFFFE90];
	[tilespmem:s29+$0x1D0] =	vst v3  }
0x14f: {  	v4 =	vbroadcast v17, $0xE;
	v3 =	vmul.f32 v18, v14;
	v14 =	vld [tilespmem:s30+$0xFFFFFEA0];
	[tilespmem:s29+$0x1E0] =	vst v2;
	s29 =	smov.u32 s31;
	s31 =	smov.u32 s30  }
0x150: {  	v2 =	vmul.f32 v18, v15;
	v15 =	vmul.f32 v19, v18;
	v17 =	vld [tilespmem:s30+$0xFFFFFEB0]  }
0x151: {  	[tilespmem:s30+$0xFFFFFE00] =	vst v3;
	v3 =	vmul.f32 v21, v18;
	v18 =	vmul.f32 v24, v22;
	v19 =	vld [tilespmem:s30+$0xFFFFFEC0]  }
0x152: {  	v21 =	vmul.f32 v29, v22;
	[tilespmem:s30+$0xFFFFFE10] =	vst v2;
	v2 =	vmul.f32 v26, v22;
	v24 =	vld [tilespmem:s30+$0xFFFFFED0]  }
0x153: {  	[tilespmem:s30+$0xFFFFFE20] =	vst v15;
	v15 =	vmul.f32 v31, v22;
	v22 =	vmul.f32 v32, v23;
	v26 =	vld [tilespmem:s30+$0xFFFFFEE0]  }
0x154: {  	v13 =	vmul.f32 v13, v23;
	[tilespmem:s30+$0xFFFFFE30] =	vst v3;
	v14 =	vmul.f32 v14, v23;
	v29 =	vld [tilespmem:s30+$0xFFFFFEF0]  }
0x155: {  	v3 =	vmul.f32 v12, v1;
	[tilespmem:s30+$0xFFFFFE40] =	vst v18;
	v17 =	vmul.f32 v17, v23;
	v18 =	vld [tilespmem:s30+$0xFFFFFF00]  }
0x156: {  	[tilespmem:s30+$0xFFFFFE50] =	vst v2;
	v12 =	vmul.f32 v19, v25;
	v19 =	vld [tilespmem:s30+$0xFFFFFF10];
	v2 =	vmul.f32 v16, v1;
	v1 =	vmov v20  }
0x157: {  	[tilespmem:s30+$0xFFFFFE60] =	vst v21;
	v16 =	vmul.f32 v24, v25;
	v20 =	vld [tilespmem:s30+$0xFFFFFF20]  }
0x158: {  	[tilespmem:s30+$0xFFFFFE70] =	vst v15;
	v15 =	vmul.f32 v26, v25;
	v21 =	vld [tilespmem:s30+$0xFFFFFF30]  }
0x159: {  	[tilespmem:s30+$0xFFFFFE80] =	vst v22;
	v22 =	vmul.f32 v29, v25;
	v23 =	vld [tilespmem:s30+$0xFFFFFF40]  }
0x15a: {  	[tilespmem:s30+$0xFFFFFE90] =	vst v13;
	v13 =	vmul.f32 v18, v27;
	v18 =	vld [tilespmem:s30+$0xFFFFFF50]  }
0x15b: {  	[tilespmem:s30+$0xFFFFFEA0] =	vst v14;
	v14 =	vmul.f32 v19, v27;
	v19 =	vld [tilespmem:s30+$0xFFFFFF60]  }
0x15c: {  	[tilespmem:s30+$0xFFFFFEB0] =	vst v17;
	v17 =	vmul.f32 v20, v27;
	v20 =	vld [tilespmem:s30+$0xFFFFFF70]  }
0x15d: {  	[tilespmem:s30+$0xFFFFFEC0] =	vst v12;
	v12 =	vmul.f32 v21, v27;
	v21 =	vld [tilespmem:s30+$0xFFFFFF80]  }
0x15e: {  	[tilespmem:s30+$0xFFFFFED0] =	vst v16;
	v16 =	vmul.f32 v23, v28;
	v23 =	vld [tilespmem:s30+$0xFFFFFF90]  }
0x15f: {  	[tilespmem:s30+$0xFFFFFEE0] =	vst v15;
	v15 =	vmul.f32 v18, v28;
	v18 =	vld [tilespmem:s30+$0xFFFFFFA0]  }
0x160: {  	[tilespmem:s30+$0xFFFFFEF0] =	vst v22;
	v19 =	vmul.f32 v19, v28;
	v22 =	vld [tilespmem:s30+$0xFFFFFFB0]  }
0x161: {  	[tilespmem:s30+$0xFFFFFF00] =	vst v13;
	v13 =	vmul.f32 v20, v28;
	v20 =	vld [tilespmem:s30+$0xFFFFFFC0]  }
0x162: {  	[tilespmem:s30+$0xFFFFFF10] =	vst v14;
	v14 =	vmul.f32 v21, v30;
	v21 =	vld [tilespmem:s30+$0xFFFFFFD0]  }
0x163: {  	[tilespmem:s30+$0xFFFFFF20] =	vst v17;
	v17 =	vmul.f32 v23, v30;
	v23 =	vld [tilespmem:s30+$0xFFFFFFE0]  }
0x164: {  	[tilespmem:s30+$0xFFFFFF30] =	vst v12;
	v12 =	vmul.f32 v18, v30;
	v18 =	vld [tilespmem:s30+$0xFFFFFFF0]  }
0x165: {  	[tilespmem:s30+$0xFFFFFF40] =	vst v16;
	v16 =	vmul.f32 v22, v30;
	v22 =	vld [tilespmem:s30+$0x0]  }
0x166: {  	[tilespmem:s30+$0xFFFFFF50] =	vst v15;
	v15 =	vmul.f32 v20, v11;
	v20 =	vld [tilespmem:s30+$0x10]  }
0x167: {  	[tilespmem:s30+$0xFFFFFF60] =	vst v19;
	v19 =	vmul.f32 v21, v11;
	v21 =	vld [tilespmem:s30+$0x20]  }
0x168: {  	[tilespmem:s30+$0xFFFFFF70] =	vst v13;
	v13 =	vmul.f32 v23, v11;
	v23 =	vld [tilespmem:s30+$0x30]  }
0x169: {  	[tilespmem:s30+$0xFFFFFF80] =	vst v14;
	v11 =	vmul.f32 v18, v11;
	v14 =	vld [tilespmem:s30+$0x40]  }
0x16a: {  	[tilespmem:s30+$0xFFFFFF90] =	vst v17;
	v17 =	vmul.f32 v22, v10;
	v18 =	vld [tilespmem:s30+$0x50]  }
0x16b: {  	[tilespmem:s30+$0xFFFFFFA0] =	vst v12;
	v20 =	vmul.f32 v20, v10;
	v12 =	vld [tilespmem:s30+$0x60]  }
0x16c: {  	[tilespmem:s30+$0xFFFFFFB0] =	vst v16;
	v21 =	vmul.f32 v21, v10;
	v16 =	vld [tilespmem:s30+$0x70]  }
0x16d: {  	[tilespmem:s30+$0xFFFFFFC0] =	vst v15;
	v15 =	vmul.f32 v23, v10;
	v10 =	vld [tilespmem:s30+$0x80]  }
0x16e: {  	[tilespmem:s30+$0xFFFFFFD0] =	vst v19;
	v19 =	vmul.f32 v14, v9;
	v14 =	vld [tilespmem:s30+$0x90]  }
0x16f: {  	[tilespmem:s30+$0xFFFFFFE0] =	vst v13;
	v13 =	vmul.f32 v18, v9;
	v22 =	vld [tilespmem:s30+$0xA0]  }
0x170: {  	[tilespmem:s30+$0xFFFFFFF0] =	vst v11;
	v12 =	vmul.f32 v12, v9;
	v23 =	vld [tilespmem:s30+$0xB0]  }
0x171: {  	[tilespmem:s30+$0x0] =	vst v17;
	v18 =	vmul.f32 v16, v9;
	v24 =	vld [tilespmem:s30+$0xC0]  }
.Ltmp2:
0x172: {  	[tilespmem:s30+$0x10] =	vst v20;
	v16 =	vmul.f32 v10, v8;
	v9 =	vld [tilespmem:s30+$0xD0];
	(pc) =	sbr.rel @p0 .LBB2_6-.Ltmp2, $4  }
0x173: {  	[tilespmem:s30+$0x20] =	vst v21;
	v17 =	vmul.f32 v14, v8;
	v10 =	vld [tilespmem:s30+$0xE0]  }
0x174: {  	[tilespmem:s30+$0x30] =	vst v15;
	v14 =	vmul.f32 v22, v8;
	v11 =	vld [tilespmem:s30+$0xF0]  }
0x175: {  	[tilespmem:s30+$0x40] =	vst v19;
	v15 =	vmul.f32 v23, v8;
	v8 =	vld [tilespmem:s30+$0x100]  }
0x176: {  	s0 =	sshra.s32 s1, $0x2;
	s1 =	sadd.s32 $0x40, s1;
	[tilespmem:s30+$0x50] =	vst v13;
	v19 =	vmul.f32 v24, v7;
	v13 =	vld [tilespmem:s30+$0x110]  }
0x177: {  	[tilespmem:s30+$0x60] =	vst v12  }
0x178: {  	[tilespmem:s30+$0x70] =	vst v18  }
0x179: {  	[tilespmem:s30+$0x80] =	vst v16  }
0x17a: {  	v58 =	vld [tilespmem:s30+$0x120];
	[tilespmem:s30+$0x90] =	vst v17  }
0x17b: {  	v59 =	vld [tilespmem:s30+$0x130];
	[tilespmem:s30+$0xA0] =	vst v14  }
0x17c: {  	v60 =	vld [tilespmem:s30+$0x140];
	[tilespmem:s30+$0xB0] =	vst v15  }
0x17d: {  	v21 =	vld [tilespmem:s0+$0x8400];
	[tilespmem:s29+$0x1D0] =	vst v3  }
0x17e: {  	v61 =	vld [tilespmem:s30+$0x150];
	v9 =	vmul.f32 v9, v7;
	[tilespmem:s29+$0x1E0] =	vst v2  }
0x17f: {  	v62 =	vld [tilespmem:s30+$0x160];
	[tilespmem:s30+$0xC0] =	vst v19;
	v10 =	vmul.f32 v10, v7  }
0x180: {  	v63 =	vld [tilespmem:s30+$0x170];
	[tilespmem:s30+$0xD0] =	vst v9;
	v23 =	vmul.f32 v11, v7  }
0x181: {  	v22 =	vld [tilespmem:s30+$0x180];
	[tilespmem:s30+$0xE0] =	vst v10;
	v8 =	vmul.f32 v8, v6  }
0x182: {  	v24 =	vld [tilespmem:s30+$0x190];
	[tilespmem:s30+$0xF0] =	vst v23;
	v13 =	vmul.f32 v13, v6;
	v25 =	vcvt.s32.f32 v21  }
0x183: {  	v26 =	vld [tilespmem:s30+$0x1A0];
	[tilespmem:s30+$0x100] =	vst v8;
	v28 =	vmul.f32 v58, v6  }
0x184: {  	v27 =	vld [tilespmem:s30+$0x1B0];
	v30 =	vmul.f32 v59, v6;
	[tilespmem:s30+$0x110] =	vst v13;
	(erf) = vrcp.f32 v25  }
0x185: {  	v29 =	vld [tilespmem:s30+$0x1C0];
	v31 =	vmul.f32 v60, v5;
	[tilespmem:s30+$0x120] =	vst v28  }
0x186: {  	v6 =	vld [tilespmem:s30+$0x1D0];
	v32 =	vmul.f32 v61, v5;
	[tilespmem:s31+$0x130] =	vst v30  }
0x187: {  	v33 =	vmul.f32 v62, v5;
	[tilespmem:s31+$0x140] =	vst v31  }
0x188: {  	s1 =	sadd.s32 $0x400, s30;
	v35 =	vmul.f32 v63, v5;
	[tilespmem:s31+$0x150] =	vst v32  }
0x189: {  	v34 =	vld [tilespmem:s1+$0x1F0];
	v9 =	vmul.f32 v22, v4;
	[tilespmem:s31+$0x160] =	vst v33  }
0x18a: {  	v10 =	vmul.f32 v24, v4;
	v7 =	vld [tilespmem:s31+$0x1E0];
	[tilespmem:s31+$0x170] =	vst v35  }
0x18b: {  	v36 =	vld [tilespmem:s1+$0xFFFFFE00];
	v11 =	vmul.f32 v26, v4;
	[tilespmem:s31+$0x180] =	vst v9  }
0x18c: {  	v39 =	vld [tilespmem:s1+$0xFFFFFE10];
	v38 =	vmul.f32 v27, v4;
	[tilespmem:s31+$0x190] =	vst v10  }
0x18d: {  	v41 =	vld [tilespmem:s1+$0xFFFFFE20];
	v40 =	vmul.f32 v29, v1;
	[tilespmem:s31+$0x1A0] =	vst v11;
	v8 =	vpop (erf)  }
0x18e: {  	v43 =	vld [tilespmem:s1+$0xFFFFFE30];
	[tilespmem:s31+$0x1B0] =	vst v38;
	v6 =	vmul.f32 v6, v1;
	v5 =	vbroadcast v8, $0xF  }
0x18f: {  	v44 =	vld [tilespmem:s1+$0xFFFFFE40];
	[tilespmem:s31+$0x1C0] =	vst v40;
	v1 =	vmul.f32 v7, v1;
	v42 =	vbroadcast v8, $0x0  }
0x190: {  	v45 =	vld [tilespmem:s1+$0xFFFFFE50];
	[tilespmem:s31+$0x1D0] =	vst v6;
	v37 =	vmul.f32 v34, v5  }
0x191: {  	v46 =	vld [tilespmem:s1+$0xFFFFFE60];
	[tilespmem:s31+$0x1E0] =	vst v1;
	v3 =	vmul.f32 v42, v36  }
0x192: {  	v48 =	vld [tilespmem:s1+$0xFFFFFE70];
	v2 =	vmul.f32 v42, v39;
	[tilespmem:s1+$0x1F0] =	vst v37  }
0x193: {  	v49 =	vld [tilespmem:s1+$0xFFFFFEA0];
	v47 =	vbroadcast v8, $0x1;
	v12 =	vmul.f32 v41, v42;
	[tilespmem:s1+$0xFFFFFE00] =	vst v3  }
0x194: {  	v51 =	vld [tilespmem:s1+$0xFFFFFEB0];
	v13 =	vmul.f32 v43, v42;
	[tilespmem:s1+$0xFFFFFE10] =	vst v2  }
0x195: {  	v53 =	vld [tilespmem:s1+$0xFFFFFED0];
	v4 =	vmul.f32 v44, v47;
	[tilespmem:s1+$0xFFFFFE20] =	vst v12  }
0x196: {  	v11 =	vmul.f32 v45, v47;
	v3 =	vld [tilespmem:s1+$0xFFFFFE80];
	[tilespmem:s1+$0xFFFFFE30] =	vst v13  }
0x197: {  	v50 =	vbroadcast v8, $0x2;
	v9 =	vmul.f32 v46, v47;
	v2 =	vld [tilespmem:s1+$0xFFFFFE90];
	[tilespmem:s1+$0xFFFFFE40] =	vst v4  }
0x198: {  	v52 =	vld [tilespmem:s1+$0xFFFFFEC0];
	v55 =	vbroadcast v8, $0x3;
	v10 =	vmul.f32 v48, v47;
	[tilespmem:s1+$0xFFFFFE50] =	vst v11  }
0x199: {  	v54 =	vld [tilespmem:s1+$0xFFFFFEE0];
	[tilespmem:s1+$0xFFFFFE60] =	vst v9;
	v12 =	vmul.f32 v49, v50  }
0x19a: {  	v56 =	vld [tilespmem:s1+$0xFFFFFEF0];
	[tilespmem:s1+$0xFFFFFE70] =	vst v10;
	v11 =	vmul.f32 v53, v55  }
0x19b: {  	v57 =	vld [tilespmem:s1+$0xFFFFFF00];
	[tilespmem:s1+$0xFFFFFEA0] =	vst v12;
	v3 =	vmul.f32 v3, v50  }
0x19c: {  	v18 =	vld [tilespmem:s1+$0xFFFFFF60];
	[tilespmem:s1+$0xFFFFFED0] =	vst v11;
	v2 =	vmul.f32 v2, v50  }
0x19d: {  	v58 =	vld [tilespmem:s1+$0xFFFFFF10];
	[tilespmem:s1+$0xFFFFFE80] =	vst v3;
	v3 =	vmul.f32 v51, v50  }
0x19e: {  	v59 =	vld [tilespmem:s1+$0xFFFFFF20];
	[tilespmem:s1+$0xFFFFFE90] =	vst v2;
	v2 =	vmul.f32 v52, v55  }
0x19f: {  	v60 =	vld [tilespmem:s1+$0xFFFFFF30];
	v9 =	vmul.f32 v54, v55;
	[tilespmem:s1+$0xFFFFFEB0] =	vst v3;
	v3 =	vbroadcast v8, $0x4  }
0x1a0: {  	v61 =	vld [tilespmem:s1+$0xFFFFFF40];
	[tilespmem:s1+$0xFFFFFEC0] =	vst v2;
	v2 =	vmul.f32 v56, v55  }
0x1a1: {  	v63 =	vld [tilespmem:s1+$0xFFFFFF50];
	[tilespmem:s1+$0xFFFFFEE0] =	vst v9;
	v62 =	vmul.f32 v57, v3  }
0x1a2: {  	v19 =	vld [tilespmem:s1+$0xFFFFFF70];
	v4 =	vmul.f32 v58, v3;
	[tilespmem:s1+$0xFFFFFEF0] =	vst v2  }
0x1a3: {  	v20 =	vld [tilespmem:s1+$0xFFFFFF80];
	v2 =	vbroadcast v8, $0x5;
	v12 =	vmul.f32 v59, v3;
	[tilespmem:s1+$0xFFFFFF00] =	vst v62  }
0x1a4: {  	v22 =	vld [tilespmem:s1+$0xFFFFFF90];
	v3 =	vmul.f32 v60, v3;
	[tilespmem:s1+$0xFFFFFF10] =	vst v4  }
0x1a5: {  	v24 =	vld [tilespmem:s1+$0xFFFFFFA0];
	v21 =	vmul.f32 v61, v2;
	[tilespmem:s1+$0xFFFFFF20] =	vst v12  }
0x1a6: {  	v26 =	vld [tilespmem:s1+$0xFFFFFFC0];
	v23 =	vmul.f32 v63, v2;
	[tilespmem:s1+$0xFFFFFF30] =	vst v3  }
0x1a7: {  	v25 =	vld [tilespmem:s1+$0xFFFFFFB0];
	v3 =	vbroadcast v8, $0x6;
	v9 =	vmul.f32 v18, v2;
	[tilespmem:s1+$0xFFFFFF40] =	vst v21  }
0x1a8: {  	v27 =	vld [tilespmem:s1+$0xFFFFFFD0];
	v2 =	vmul.f32 v19, v2;
	[tilespmem:s1+$0xFFFFFF50] =	vst v23  }
0x1a9: {  	v29 =	vld [tilespmem:s1+$0xFFFFFFE0];
	v11 =	vmul.f32 v20, v3;
	[tilespmem:s1+$0xFFFFFF60] =	vst v9  }
0x1aa: {  	v30 =	vld [tilespmem:s1+$0xFFFFFFF0];
	v28 =	vmul.f32 v22, v3;
	[tilespmem:s1+$0xFFFFFF70] =	vst v2  }
0x1ab: {  	v31 =	vld [tilespmem:s1+$0x0];
	v2 =	vbroadcast v8, $0x7;
	v13 =	vmul.f32 v24, v3;
	[tilespmem:s1+$0xFFFFFF80] =	vst v11  }
0x1ac: {  	v63 =	vld [tilespmem:s1+$0x1E0];
	v3 =	vmul.f32 v25, v3;
	[tilespmem:s1+$0xFFFFFF90] =	vst v28  }
0x1ad: {  	v32 =	vld [tilespmem:s1+$0x10];
	v4 =	vmul.f32 v26, v2;
	[tilespmem:s1+$0xFFFFFFA0] =	vst v13  }
0x1ae: {  	v33 =	vld [tilespmem:s1+$0x20];
	v12 =	vmul.f32 v27, v2;
	[tilespmem:s1+$0xFFFFFFB0] =	vst v3  }
0x1af: {  	v35 =	vld [tilespmem:s1+$0x40];
	v10 =	vmul.f32 v29, v2;
	[tilespmem:s1+$0xFFFFFFC0] =	vst v4  }
0x1b0: {  	v34 =	vld [tilespmem:s1+$0x30];
	v3 =	vbroadcast v8, $0x8;
	v2 =	vmul.f32 v30, v2;
	[tilespmem:s1+$0xFFFFFFD0] =	vst v12  }
0x1b1: {  	v38 =	vld [tilespmem:s1+$0x70];
	v1 =	vmul.f32 v63, v5;
	[tilespmem:s1+$0xFFFFFFE0] =	vst v10  }
0x1b2: {  	v36 =	vld [tilespmem:s1+$0x50];
	v11 =	vmul.f32 v31, v3;
	[tilespmem:s1+$0xFFFFFFF0] =	vst v2  }
0x1b3: {  	v37 =	vld [tilespmem:s1+$0x60];
	v9 =	vmul.f32 v32, v3;
	[tilespmem:s1+$0x1E0] =	vst v1  }
0x1b4: {  	v40 =	vld [tilespmem:s1+$0x90];
	v2 =	vbroadcast v8, $0x9;
	v13 =	vmul.f32 v33, v3;
	[tilespmem:s1+$0x0] =	vst v11  }
0x1b5: {  	v39 =	vld [tilespmem:s1+$0x80];
	v3 =	vmul.f32 v34, v3;
	[tilespmem:s1+$0x10] =	vst v9  }
0x1b6: {  	v41 =	vld [tilespmem:s1+$0xA0];
	v4 =	vmul.f32 v35, v2;
	[tilespmem:s1+$0x20] =	vst v13  }
0x1b7: {  	v42 =	vld [tilespmem:s1+$0xB0];
	v12 =	vmul.f32 v36, v2;
	[tilespmem:s1+$0x30] =	vst v3  }
0x1b8: {  	v43 =	vld [tilespmem:s1+$0xC0];
	v3 =	vbroadcast v8, $0xA;
	v10 =	vmul.f32 v37, v2;
	[tilespmem:s1+$0x40] =	vst v4  }
0x1b9: {  	v44 =	vld [tilespmem:s1+$0xD0];
	v2 =	vmul.f32 v38, v2;
	[tilespmem:s1+$0x50] =	vst v12  }
0x1ba: {  	v45 =	vld [tilespmem:s1+$0xE0];
	v11 =	vmul.f32 v39, v3;
	[tilespmem:s1+$0x60] =	vst v10  }
0x1bb: {  	v46 =	vld [tilespmem:s1+$0xF0];
	v9 =	vmul.f32 v40, v3;
	[tilespmem:s1+$0x70] =	vst v2  }
0x1bc: {  	v47 =	vld [tilespmem:s1+$0x100];
	v2 =	vbroadcast v8, $0xB;
	v13 =	vmul.f32 v41, v3;
	[tilespmem:s1+$0x80] =	vst v11  }
0x1bd: {  	v48 =	vld [tilespmem:s1+$0x110];
	v3 =	vmul.f32 v42, v3;
	[tilespmem:s1+$0x90] =	vst v9  }
0x1be: {  	v49 =	vld [tilespmem:s1+$0x120];
	v4 =	vmul.f32 v43, v2;
	[tilespmem:s1+$0xA0] =	vst v13  }
0x1bf: {  	v53 =	vld [tilespmem:s1+$0x160];
	v12 =	vmul.f32 v44, v2;
	[tilespmem:s1+$0xB0] =	vst v3  }
0x1c0: {  	v50 =	vld [tilespmem:s1+$0x130];
	v3 =	vbroadcast v8, $0xC;
	v10 =	vmul.f32 v45, v2;
	[tilespmem:s1+$0xC0] =	vst v4  }
0x1c1: {  	v51 =	vld [tilespmem:s1+$0x140];
	v2 =	vmul.f32 v46, v2;
	[tilespmem:s1+$0xD0] =	vst v12  }
0x1c2: {  	v52 =	vld [tilespmem:s1+$0x150];
	v11 =	vmul.f32 v47, v3;
	[tilespmem:s1+$0xE0] =	vst v10  }
0x1c3: {  	v54 =	vld [tilespmem:s1+$0x170];
	v9 =	vmul.f32 v48, v3;
	[tilespmem:s1+$0xF0] =	vst v2  }
0x1c4: {  	v2 =	vbroadcast v8, $0xD;
	v13 =	vmul.f32 v49, v3;
	[tilespmem:s1+$0x100] =	vst v11  }
0x1c5: {  	v55 =	vld [tilespmem:s1+$0x180];
	v3 =	vmul.f32 v50, v3;
	[tilespmem:s1+$0x110] =	vst v9  }
0x1c6: {  	v56 =	vld [tilespmem:s1+$0x190];
	v4 =	vmul.f32 v51, v2;
	[tilespmem:s1+$0x120] =	vst v13  }
0x1c7: {  	v57 =	vld [tilespmem:s1+$0x1A0];
	v12 =	vmul.f32 v52, v2;
	[tilespmem:s1+$0x130] =	vst v3;
	v3 =	vbroadcast v8, $0xE  }
0x1c8: {  	v59 =	vld [tilespmem:s1+$0x1B0];
	v58 =	vmul.f32 v53, v2;
	v2 =	vmul.f32 v54, v2;
	[tilespmem:s1+$0x140] =	vst v4  }
0x1c9: {  	v60 =	vld [tilespmem:s1+$0x1C0];
	[tilespmem:s1+$0x150] =	vst v12  }
0x1ca: {  	v11 =	vmul.f32 v55, v3;
	[tilespmem:s1+$0x170] =	vst v2;
	v2 =	vld [tilespmem:s1+$0x1D0]  }
0x1cb: {  	[tilespmem:s1+$0x160] =	vst v58;
	v61 =	vmul.f32 v56, v3  }
0x1cc: {  	v62 =	vmul.f32 v57, v3;
	[tilespmem:s1+$0x180] =	vst v11  }
0x1cd: {  	v3 =	vmul.f32 v59, v3;
	[tilespmem:s1+$0x190] =	vst v61  }
0x1ce: {  	v4 =	vmul.f32 v60, v5;
	[tilespmem:s1+$0x1A0] =	vst v62  }
0x1cf: {  	s28 =	sadd.s32 $0x1, s28;
	[tilespmem:s1+$0x1B0] =	vst v3;
	v2 =	vmul.f32 v2, v5  }
0x1d0: {  	p0 =	sne.s32 s28, s7;
	[tilespmem:s1+$0x1C0] =	vst v4  }
.Ltmp3:
0x1d1: {  	[tilespmem:s1+$0x1D0] =	vst v2;
	(pc) =	sbr.rel @p0 .LBB2_1-.Ltmp3, $4  }
0x1d2: {  	[hbm4b:s6+s2] =	stream.linear.scatter [tilespmem:s12], [sflag:$0x9], $0x2000, $0x38;
	[tilespmem:$0x8480] =	vst v63  }
0x1d3: {  	_ =	swait.ge [sflag:s10], $0x2000  }
0x1d4: {  	[sflag:s10] =	ssyncset.done $0x0  }
0x1d5: {  	[sflag:s10] =	ssyncadd.s32 $0xFFFFE000  }
0x1d6: {  	_ =	sfence.sel $0x180000  }
0x1d7: {  	[bflag:$0x0] =	sbarrier.arrive $0xFFFF  }
0x1d8: {  	_ =	strace $0x90000047  }
0x1d9: {  	s0 =	stileid.u32;
	[bflag:$0x2] =	sbarrier.arrive $0xFFFF  }
0x1da: {  	p0 =	sne.s32 s0, $0x0;
	s0 =	rddreg [dreg:$0x3]  }
0x1db: {  	s0 =	sadd.s32 @!p0 $0x100000, s0  }
0x1dc: {  	[sflag:s0] =	ssyncadd.tile.s32 @!p0 $0x1;
	_ =	shalt  }
.Lfunc_end2:
_tile_overlayer_lowered:
.L_overlay_start_2:
0x1dd: {  	(tag) =	ssettag $0x2  }
0x1de: {  	s0 =	rddreg [dreg:$0x0];
	s2 =	stileid.u32  }
0x1df: {  	s1 =	rddreg [dreg:$0x1];
	p0 =	sne.s32 s2, $0x0  }
0x1e0: {  	s3 =	rddreg [dreg:$0x2];
	[bflag:$0x3] =	sbarrier.arrive $0xFFFF;
	s2 =	simm.s32 @!p0 $0x1C09  }
0x1e1: {  	[timem:s3], [sflag:s2] =	dma.local @!p0 [hbm:s0], s1  }
0x1e2: {  	s0 =	simm.s32 @!p0 $0x9  }
0x1e3: {  	_ =	swait.ge @!p0 [sflag:s0], s1  }
0x1e4: {  	s1 =	ssub.s32 @!p0 $0x0, s1;
	[sflag:s0] =	ssyncset.done @!p0 $0x0  }
0x1e5: {  	[sflag:s0] =	ssyncadd.s32 @!p0 s1  }
0x1e6: {  	[bflag:$0x3] =	sbarrier.arrive $0xFFFF  }
0x1e7: {  	_ =	shalt  }

</sc_bundles>
